<compile_context>
chip_gen: v7x
topology: tpu7x:2x2x1
jax: 0.10.2.dev20260603
libtpu: 0.0.44.dev20260713+nightly
codegen_flags: <defaults>
</compile_context>

<pallas_src>
import functools

import jax
import jax.numpy as jnp
from jax import lax
from jax.experimental import pallas as pl
from jax.experimental.pallas import tpu as pltpu
from jax.experimental.pallas import tpu_sc as plsc

_NC = 2
_NS = 16
_NW = _NC * _NS

_D = 128
_C = 128


@functools.partial(jax.jit, static_argnames=("n_chunks",))
def _gather_rows(idx, table, *, n_chunks):
    b_per_w = n_chunks * _C
    total = _NW * b_per_w
    mesh = plsc.VectorSubcoreMesh(core_axis_name="c", subcore_axis_name="s")

    nb = 5
    assert n_chunks % nb == 0

    @functools.partial(
        pl.kernel,
        mesh=mesh,
        out_type=jax.ShapeDtypeStruct((total, _D), jnp.float32),
        scratch_types=[
            pltpu.VMEM((n_chunks, _C), jnp.int32),
            pltpu.VMEM((nb, _C, _D), jnp.float32),
            [pltpu.SemaphoreType.DMA] * nb,
            [pltpu.SemaphoreType.DMA] * nb,
        ],
    )
    def k(idx_hbm, table_hbm, out_hbm, idx_v, rows_v, gsem, wsem):
        wid = lax.axis_index("s") * _NC + lax.axis_index("c")
        base = wid * b_per_w
        pltpu.sync_copy(idx_hbm.at[wid], idx_v)

        def gather(j, b):
            pltpu.async_copy(table_hbm.at[idx_v.at[j]], rows_v.at[b], gsem[b])

        def wait_gather(j, b):
            pltpu.make_async_copy(
                table_hbm.at[idx_v.at[j]], rows_v.at[b], gsem[b]).wait()

        def write(j, b):
            pltpu.async_copy(
                rows_v.at[b], out_hbm.at[pl.ds(base + j * _C, _C)], wsem[b])

        def wait_write(j, b):
            pltpu.make_async_copy(
                rows_v.at[b], out_hbm.at[pl.ds(base + j * _C, _C)],
                wsem[b]).wait()

        for t in range(nb - 1):
            gather(t, t)

        def body(m, carry):
            for t in range(nb):
                j = nb * m + t
                bn = (t + nb - 1) % nb
                if t == 0:
                    @pl.when(m > 0)
                    def _():
                        wait_write(j - 1, bn)
                    gather(j + nb - 1, bn)
                else:
                    wait_write(j - 1, bn)

                    @pl.when(j + nb - 1 < n_chunks)
                    def _():
                        gather(j + nb - 1, bn)
                wait_gather(j, t)
                write(j, t)
            return carry

        lax.fori_loop(0, n_chunks // nb, body, 0)
        wait_write(n_chunks - 1, (n_chunks - 1) % nb)

    return k(idx, table)


def kernel(speaker_ids, table):
    b0, s = speaker_ids.shape
    total = b0 * s
    n_chunks = total // (_NW * _C)
    idx = speaker_ids.astype(jnp.int32).reshape(_NW, n_chunks, _C)
    out = _gather_rows(idx, table, n_chunks=n_chunks)
    return out.reshape(b0, s, _D)

# --- scband reference (transcript-rebuilt; emitter-appended) ---
"""Pipeline reference for scband-bert-speaker-embeddings-88295937671331 (READ-ONLY COPY).

The authoritative reference and input builder live on the scoring server;
editing this copy changes nothing except your own understanding.
"""

import jax, jax.numpy as jnp
import numpy as np

NUM_EMBEDDINGS = 100000
EMBEDDING_DIM = 128

def setup_inputs(seed: int = 0) -> dict:
    key = jax.random.key(seed)
    k_ids, k_tab = jax.random.split(key)
    speaker_ids = jax.random.randint(k_ids, (1024, 200), 0, NUM_EMBEDDINGS, dtype=jnp.int64 if jax.config.jax_enable_x64 else jnp.int32)
    table = jax.random.normal(k_tab, (NUM_EMBEDDINGS, EMBEDDING_DIM), dtype=jnp.float32)
    return {"speaker_ids": speaker_ids, "table": table}

def reference(speaker_ids, table):
    # Faithful translation of nn.Embedding forward: row gather from the table.
    return jnp.take(table, speaker_ids, axis=0)

if __name__ == "__main__":
    import jax
    _d = setup_inputs()
    print(jax.jit(kernel)(*tuple(_d.values())))

</pallas_src>

<mosaic_0001>
#map = affine_map<(d0, d1) -> (0, 0, 0)>
#map1 = affine_map<(d0, d1) -> (0, 0)>
module attributes {stable_mosaic.version = 14 : i64} {
  func.func @k(%arg0: i32, %arg1: i32, %arg2: memref<32x50x128xi32, #tpu.memory_space<hbm>>, %arg3: memref<100000x128xf32, #tpu.memory_space<hbm>>, %arg4: memref<204800x128xf32, #tpu.memory_space<hbm>>, %arg5: memref<50x128xi32, #tpu.memory_space<vmem>>, %arg6: memref<5x128x128xf32, #tpu.memory_space<vmem>>, %arg7: memref<!tpu.dma_semaphore, #tpu.memory_space<semaphore_mem>>, %arg8: memref<!tpu.dma_semaphore, #tpu.memory_space<semaphore_mem>>, %arg9: memref<!tpu.dma_semaphore, #tpu.memory_space<semaphore_mem>>, %arg10: memref<!tpu.dma_semaphore, #tpu.memory_space<semaphore_mem>>, %arg11: memref<!tpu.dma_semaphore, #tpu.memory_space<semaphore_mem>>, %arg12: memref<!tpu.dma_semaphore, #tpu.memory_space<semaphore_mem>>, %arg13: memref<!tpu.dma_semaphore, #tpu.memory_space<semaphore_mem>>, %arg14: memref<!tpu.dma_semaphore, #tpu.memory_space<semaphore_mem>>, %arg15: memref<!tpu.dma_semaphore, #tpu.memory_space<semaphore_mem>>, %arg16: memref<!tpu.dma_semaphore, #tpu.memory_space<semaphore_mem>>) attributes {dimension_semantics = [#tpu.dimension_semantics<core_parallel>, #tpu.dimension_semantics<subcore_parallel>], iteration_bounds = array<i64: 2, 16>, scalar_prefetch = 0 : i64, scratch_operands = 12 : i64, tpu.core_type = #tpu.core_type<sc_vector_subcore>, window_params = [{transform_indices = #map}, {transform_indices = #map1}, {transform_indices = #map1}]} {
    %mul3A = arith.constant 2 : i32
    %mul3A_0 = arith.muli %arg1, %mul3A : i32
    %add3A = arith.addi %mul3A_0, %arg0 : i32
    %mul3A_1 = arith.constant 6400 : i32
    %mul3A_2 = arith.muli %add3A, %mul3A_1 : i32
    "tpu.region"() ({
      %run_scoped3A = tpu.sem_alloc : memref<!tpu.dma_semaphore, #tpu.memory_space<semaphore_mem>>
      %dma_start3A_69 = arith.constant 0 : i32
      %dma_start3A_70 = arith.constant 0 : i32
      %dma_start3A_71 = tpu.memref_slice %arg2[%add3A, %dma_start3A_69, %dma_start3A_70] : memref<32x50x128xi32, #tpu.memory_space<hbm>> -> memref<1x50x128xi32, #tpu.memory_space<hbm>>
      %dma_start3A_72 = tpu.memref_squeeze %dma_start3A_71 : memref<1x50x128xi32, #tpu.memory_space<hbm>> -> memref<50x128xi32, #tpu.memory_space<hbm>>
      %dma_start3A_73 = arith.constant 0 : i32
      %dma_start3A_74 = arith.constant 0 : i32
      %dma_start3A_75 = tpu.memref_slice %arg2[%add3A, %dma_start3A_73, %dma_start3A_74] : memref<32x50x128xi32, #tpu.memory_space<hbm>> -> memref<1x50x128xi32, #tpu.memory_space<hbm>>
      %dma_start3A_76 = tpu.memref_squeeze %dma_start3A_75 : memref<1x50x128xi32, #tpu.memory_space<hbm>> -> memref<50x128xi32, #tpu.memory_space<hbm>>
      tpu.enqueue_dma source(%dma_start3A_76 : memref<50x128xi32, #tpu.memory_space<hbm>>) target(%arg5 : memref<50x128xi32, #tpu.memory_space<vmem>>) target_semaphore(%run_scoped3A : memref<!tpu.dma_semaphore, #tpu.memory_space<semaphore_mem>>)
      %dma_wait3A_77 = arith.constant 0 : i32
      %dma_wait3A_78 = arith.constant 0 : i32
      %dma_wait3A_79 = tpu.memref_slice %arg2[%add3A, %dma_wait3A_77, %dma_wait3A_78] : memref<32x50x128xi32, #tpu.memory_space<hbm>> -> memref<1x50x128xi32, #tpu.memory_space<hbm>>
      %dma_wait3A_80 = tpu.memref_squeeze %dma_wait3A_79 : memref<1x50x128xi32, #tpu.memory_space<hbm>> -> memref<50x128xi32, #tpu.memory_space<hbm>>
      %dma_wait3A_81 = arith.constant 0 : i32
      %dma_wait3A_82 = arith.constant 0 : i32
      %dma_wait3A_83 = tpu.memref_slice %arg2[%add3A, %dma_wait3A_81, %dma_wait3A_82] : memref<32x50x128xi32, #tpu.memory_space<hbm>> -> memref<1x50x128xi32, #tpu.memory_space<hbm>>
      %dma_wait3A_84 = tpu.memref_squeeze %dma_wait3A_83 : memref<1x50x128xi32, #tpu.memory_space<hbm>> -> memref<50x128xi32, #tpu.memory_space<hbm>>
      tpu.wait_dma2 semaphore(%run_scoped3A : memref<!tpu.dma_semaphore, #tpu.memory_space<semaphore_mem>>) src(%dma_wait3A_84 : memref<50x128xi32, #tpu.memory_space<hbm>>) dst(%arg5 : memref<50x128xi32, #tpu.memory_space<vmem>>)
      tpu.yield
    }) : () -> ()
    %dma_start3A = arith.constant 0 : i32
    %dma_start3A_3 = arith.constant 0 : i32
    %dma_start3A_4 = arith.constant 0 : i32
    %dma_start3A_5 = arith.constant 0 : i32
    %dma_start3A_6 = tpu.memref_slice %arg6[%dma_start3A_3, %dma_start3A_4, %dma_start3A_5] : memref<5x128x128xf32, #tpu.memory_space<vmem>> -> memref<1x128x128xf32, #tpu.memory_space<vmem>>
    %dma_start3A_7 = tpu.memref_squeeze %dma_start3A_6 : memref<1x128x128xf32, #tpu.memory_space<vmem>> -> memref<128x128xf32, #tpu.memory_space<vmem>>
    %dma_start3A_8 = arith.constant 0 : i32
    %dma_start3A_9 = tpu.memref_slice %arg5[%dma_start3A, %dma_start3A_8] : memref<50x128xi32, #tpu.memory_space<vmem>> -> memref<1x128xi32, #tpu.memory_space<vmem>>
    %dma_start3A_10 = tpu.memref_squeeze %dma_start3A_9 : memref<1x128xi32, #tpu.memory_space<vmem>> -> memref<128xi32, #tpu.memory_space<vmem>>
    %dma_start3A_11 = arith.constant 0 : i32
    %dma_start3A_12 = arith.constant 0 : i32
    %dma_start3A_13 = tpu.memref_slice %arg3[%dma_start3A_11, %dma_start3A_12] : memref<100000x128xf32, #tpu.memory_space<hbm>> -> memref<100000x128xf32, #tpu.memory_space<hbm>>
    tpu.enqueue_indirect_dma source(%dma_start3A_13 : memref<100000x128xf32, #tpu.memory_space<hbm>>) target(%dma_start3A_7 : memref<128x128xf32, #tpu.memory_space<vmem>>) offsets(%dma_start3A_10 : memref<128xi32, #tpu.memory_space<vmem>>) semaphore(%arg7 : memref<!tpu.dma_semaphore, #tpu.memory_space<semaphore_mem>>)
    %dma_start3A_14 = arith.constant 1 : i32
    %dma_start3A_15 = arith.constant 1 : i32
    %dma_start3A_16 = arith.constant 0 : i32
    %dma_start3A_17 = arith.constant 0 : i32
    %dma_start3A_18 = tpu.memref_slice %arg6[%dma_start3A_15, %dma_start3A_16, %dma_start3A_17] : memref<5x128x128xf32, #tpu.memory_space<vmem>> -> memref<1x128x128xf32, #tpu.memory_space<vmem>>
    %dma_start3A_19 = tpu.memref_squeeze %dma_start3A_18 : memref<1x128x128xf32, #tpu.memory_space<vmem>> -> memref<128x128xf32, #tpu.memory_space<vmem>>
    %dma_start3A_20 = arith.constant 0 : i32
    %dma_start3A_21 = tpu.memref_slice %arg5[%dma_start3A_14, %dma_start3A_20] : memref<50x128xi32, #tpu.memory_space<vmem>> -> memref<1x128xi32, #tpu.memory_space<vmem>>
    %dma_start3A_22 = tpu.memref_squeeze %dma_start3A_21 : memref<1x128xi32, #tpu.memory_space<vmem>> -> memref<128xi32, #tpu.memory_space<vmem>>
    %dma_start3A_23 = arith.constant 0 : i32
    %dma_start3A_24 = arith.constant 0 : i32
    %dma_start3A_25 = tpu.memref_slice %arg3[%dma_start3A_23, %dma_start3A_24] : memref<100000x128xf32, #tpu.memory_space<hbm>> -> memref<100000x128xf32, #tpu.memory_space<hbm>>
    tpu.enqueue_indirect_dma source(%dma_start3A_25 : memref<100000x128xf32, #tpu.memory_space<hbm>>) target(%dma_start3A_19 : memref<128x128xf32, #tpu.memory_space<vmem>>) offsets(%dma_start3A_22 : memref<128xi32, #tpu.memory_space<vmem>>) semaphore(%arg8 : memref<!tpu.dma_semaphore, #tpu.memory_space<semaphore_mem>>)
    %dma_start3A_26 = arith.constant 2 : i32
    %dma_start3A_27 = arith.constant 2 : i32
    %dma_start3A_28 = arith.constant 0 : i32
    %dma_start3A_29 = arith.constant 0 : i32
    %dma_start3A_30 = tpu.memref_slice %arg6[%dma_start3A_27, %dma_start3A_28, %dma_start3A_29] : memref<5x128x128xf32, #tpu.memory_space<vmem>> -> memref<1x128x128xf32, #tpu.memory_space<vmem>>
    %dma_start3A_31 = tpu.memref_squeeze %dma_start3A_30 : memref<1x128x128xf32, #tpu.memory_space<vmem>> -> memref<128x128xf32, #tpu.memory_space<vmem>>
    %dma_start3A_32 = arith.constant 0 : i32
    %dma_start3A_33 = tpu.memref_slice %arg5[%dma_start3A_26, %dma_start3A_32] : memref<50x128xi32, #tpu.memory_space<vmem>> -> memref<1x128xi32, #tpu.memory_space<vmem>>
    %dma_start3A_34 = tpu.memref_squeeze %dma_start3A_33 : memref<1x128xi32, #tpu.memory_space<vmem>> -> memref<128xi32, #tpu.memory_space<vmem>>
    %dma_start3A_35 = arith.constant 0 : i32
    %dma_start3A_36 = arith.constant 0 : i32
    %dma_start3A_37 = tpu.memref_slice %arg3[%dma_start3A_35, %dma_start3A_36] : memref<100000x128xf32, #tpu.memory_space<hbm>> -> memref<100000x128xf32, #tpu.memory_space<hbm>>
    tpu.enqueue_indirect_dma source(%dma_start3A_37 : memref<100000x128xf32, #tpu.memory_space<hbm>>) target(%dma_start3A_31 : memref<128x128xf32, #tpu.memory_space<vmem>>) offsets(%dma_start3A_34 : memref<128xi32, #tpu.memory_space<vmem>>) semaphore(%arg9 : memref<!tpu.dma_semaphore, #tpu.memory_space<semaphore_mem>>)
    %dma_start3A_38 = arith.constant 3 : i32
    %dma_start3A_39 = arith.constant 3 : i32
    %dma_start3A_40 = arith.constant 0 : i32
    %dma_start3A_41 = arith.constant 0 : i32
    %dma_start3A_42 = tpu.memref_slice %arg6[%dma_start3A_39, %dma_start3A_40, %dma_start3A_41] : memref<5x128x128xf32, #tpu.memory_space<vmem>> -> memref<1x128x128xf32, #tpu.memory_space<vmem>>
    %dma_start3A_43 = tpu.memref_squeeze %dma_start3A_42 : memref<1x128x128xf32, #tpu.memory_space<vmem>> -> memref<128x128xf32, #tpu.memory_space<vmem>>
    %dma_start3A_44 = arith.constant 0 : i32
    %dma_start3A_45 = tpu.memref_slice %arg5[%dma_start3A_38, %dma_start3A_44] : memref<50x128xi32, #tpu.memory_space<vmem>> -> memref<1x128xi32, #tpu.memory_space<vmem>>
    %dma_start3A_46 = tpu.memref_squeeze %dma_start3A_45 : memref<1x128xi32, #tpu.memory_space<vmem>> -> memref<128xi32, #tpu.memory_space<vmem>>
    %dma_start3A_47 = arith.constant 0 : i32
    %dma_start3A_48 = arith.constant 0 : i32
    %dma_start3A_49 = tpu.memref_slice %arg3[%dma_start3A_47, %dma_start3A_48] : memref<100000x128xf32, #tpu.memory_space<hbm>> -> memref<100000x128xf32, #tpu.memory_space<hbm>>
    tpu.enqueue_indirect_dma source(%dma_start3A_49 : memref<100000x128xf32, #tpu.memory_space<hbm>>) target(%dma_start3A_43 : memref<128x128xf32, #tpu.memory_space<vmem>>) offsets(%dma_start3A_46 : memref<128xi32, #tpu.memory_space<vmem>>) semaphore(%arg10 : memref<!tpu.dma_semaphore, #tpu.memory_space<semaphore_mem>>)
    %scan3A = arith.constant 0 : i32
    %scan3A_50 = arith.constant 0 : i32
    %scan3A_51 = arith.constant 10 : i32
    %scan3A_52 = arith.addi %scan3A_50, %scan3A_51 : i32
    %scan3A_53 = arith.constant 1 : i32
    scf.for %scan3A_69 = %scan3A_50 to %scan3A_52 step %scan3A_53  : i32 {
      %mul3A_70 = arith.constant 5 : i32
      %mul3A_71 = arith.muli %mul3A_70, %scan3A_69 : i32
      %add3A_72 = arith.constant 0 : i32
      %add3A_73 = arith.addi %mul3A_71, %add3A_72 : i32
      %gt3A = arith.constant 0 : i32
      %gt3A_74 = arith.cmpi sgt, %scan3A_69, %gt3A : i32
      %convert_element_type3A = arith.extui %gt3A_74 : i1 to i32
      %cond3A = arith.constant 0 : i32
      %cond3A_75 = arith.cmpi ne, %convert_element_type3A, %cond3A : i32
      scf.if %cond3A_75 {
        %sub3A_348 = arith.constant 1 : i32
        %sub3A_349 = arith.subi %add3A_73, %sub3A_348 : i32
        %mul3A_350 = arith.constant 128 : i32
        %mul3A_351 = arith.muli %sub3A_349, %mul3A_350 : i32
        %add3A_352 = arith.addi %mul3A_2, %mul3A_351 : i32
        %dma_wait3A_353 = arith.constant 4 : i32
        %dma_wait3A_354 = arith.constant 0 : i32
        %dma_wait3A_355 = arith.constant 0 : i32
        %dma_wait3A_356 = tpu.memref_slice %arg6[%dma_wait3A_353, %dma_wait3A_354, %dma_wait3A_355] : memref<5x128x128xf32, #tpu.memory_space<vmem>> -> memref<1x128x128xf32, #tpu.memory_space<vmem>>
        %dma_wait3A_357 = tpu.memref_squeeze %dma_wait3A_356 : memref<1x128x128xf32, #tpu.memory_space<vmem>> -> memref<128x128xf32, #tpu.memory_space<vmem>>
        %dma_wait3A_358 = arith.constant 0 : i32
        %dma_wait3A_359 = tpu.memref_slice %arg4[%add3A_352, %dma_wait3A_358] : memref<204800x128xf32, #tpu.memory_space<hbm>> -> memref<128x128xf32, #tpu.memory_space<hbm>>
        %dma_wait3A_360 = arith.constant 0 : i32
        %dma_wait3A_361 = tpu.memref_slice %arg4[%add3A_352, %dma_wait3A_360] : memref<204800x128xf32, #tpu.memory_space<hbm>> -> memref<128x128xf32, #tpu.memory_space<hbm>>
        %dma_wait3A_362 = arith.constant 0 : i32
        %dma_wait3A_363 = arith.constant 0 : i32
        %dma_wait3A_364 = tpu.memref_slice %arg6[%dma_wait3A_353, %dma_wait3A_362, %dma_wait3A_363] : memref<5x128x128xf32, #tpu.memory_space<vmem>> -> memref<1x128x128xf32, #tpu.memory_space<vmem>>
        %dma_wait3A_365 = tpu.memref_squeeze %dma_wait3A_364 : memref<1x128x128xf32, #tpu.memory_space<vmem>> -> memref<128x128xf32, #tpu.memory_space<vmem>>
        tpu.wait_dma2 semaphore(%arg16 : memref<!tpu.dma_semaphore, #tpu.memory_space<semaphore_mem>>) src(%dma_wait3A_365 : memref<128x128xf32, #tpu.memory_space<vmem>>) dst(%dma_wait3A_361 : memref<128x128xf32, #tpu.memory_space<hbm>>)
      } else {
      }
      %add3A_76 = arith.constant 5 : i32
      %add3A_77 = arith.addi %add3A_73, %add3A_76 : i32
      %sub3A = arith.constant 1 : i32
      %sub3A_78 = arith.subi %add3A_77, %sub3A : i32
      %dma_start3A_79 = arith.constant 4 : i32
      %dma_start3A_80 = arith.constant 0 : i32
      %dma_start3A_81 = arith.constant 0 : i32
      %dma_start3A_82 = tpu.memref_slice %arg6[%dma_start3A_79, %dma_start3A_80, %dma_start3A_81] : memref<5x128x128xf32, #tpu.memory_space<vmem>> -> memref<1x128x128xf32, #tpu.memory_space<vmem>>
      %dma_start3A_83 = tpu.memref_squeeze %dma_start3A_82 : memref<1x128x128xf32, #tpu.memory_space<vmem>> -> memref<128x128xf32, #tpu.memory_space<vmem>>
      %dma_start3A_84 = arith.constant 0 : i32
      %dma_start3A_85 = tpu.memref_slice %arg5[%sub3A_78, %dma_start3A_84] : memref<50x128xi32, #tpu.memory_space<vmem>> -> memref<1x128xi32, #tpu.memory_space<vmem>>
      %dma_start3A_86 = tpu.memref_squeeze %dma_start3A_85 : memref<1x128xi32, #tpu.memory_space<vmem>> -> memref<128xi32, #tpu.memory_space<vmem>>
      %dma_start3A_87 = arith.constant 0 : i32
      %dma_start3A_88 = arith.constant 0 : i32
      %dma_start3A_89 = tpu.memref_slice %arg3[%dma_start3A_87, %dma_start3A_88] : memref<100000x128xf32, #tpu.memory_space<hbm>> -> memref<100000x128xf32, #tpu.memory_space<hbm>>
      tpu.enqueue_indirect_dma source(%dma_start3A_89 : memref<100000x128xf32, #tpu.memory_space<hbm>>) target(%dma_start3A_83 : memref<128x128xf32, #tpu.memory_space<vmem>>) offsets(%dma_start3A_86 : memref<128xi32, #tpu.memory_space<vmem>>) semaphore(%arg11 : memref<!tpu.dma_semaphore, #tpu.memory_space<semaphore_mem>>)
      %dma_wait3A_90 = arith.constant 0 : i32
      %dma_wait3A_91 = arith.constant 0 : i32
      %dma_wait3A_92 = arith.constant 0 : i32
      %dma_wait3A_93 = tpu.memref_slice %arg6[%dma_wait3A_90, %dma_wait3A_91, %dma_wait3A_92] : memref<5x128x128xf32, #tpu.memory_space<vmem>> -> memref<1x128x128xf32, #tpu.memory_space<vmem>>
      %dma_wait3A_94 = tpu.memref_squeeze %dma_wait3A_93 : memref<1x128x128xf32, #tpu.memory_space<vmem>> -> memref<128x128xf32, #tpu.memory_space<vmem>>
      %dma_wait3A_95 = arith.constant 0 : i32
      %dma_wait3A_96 = tpu.memref_slice %arg5[%add3A_73, %dma_wait3A_95] : memref<50x128xi32, #tpu.memory_space<vmem>> -> memref<1x128xi32, #tpu.memory_space<vmem>>
      %dma_wait3A_97 = tpu.memref_squeeze %dma_wait3A_96 : memref<1x128xi32, #tpu.memory_space<vmem>> -> memref<128xi32, #tpu.memory_space<vmem>>
      %dma_wait3A_98 = arith.constant 0 : i32
      %dma_wait3A_99 = arith.constant 0 : i32
      %dma_wait3A_100 = tpu.memref_slice %arg3[%dma_wait3A_98, %dma_wait3A_99] : memref<100000x128xf32, #tpu.memory_space<hbm>> -> memref<100000x128xf32, #tpu.memory_space<hbm>>
      tpu.wait_indirect_dma semaphore(%arg7 : memref<!tpu.dma_semaphore, #tpu.memory_space<semaphore_mem>>) src(%dma_wait3A_100 : memref<100000x128xf32, #tpu.memory_space<hbm>>) dst(%dma_wait3A_94 : memref<128x128xf32, #tpu.memory_space<vmem>>)
      %mul3A_101 = arith.constant 128 : i32
      %mul3A_102 = arith.muli %add3A_73, %mul3A_101 : i32
      %add3A_103 = arith.addi %mul3A_2, %mul3A_102 : i32
      %dma_start3A_104 = arith.constant 0 : i32
      %dma_start3A_105 = arith.constant 0 : i32
      %dma_start3A_106 = arith.constant 0 : i32
      %dma_start3A_107 = tpu.memref_slice %arg6[%dma_start3A_104, %dma_start3A_105, %dma_start3A_106] : memref<5x128x128xf32, #tpu.memory_space<vmem>> -> memref<1x128x128xf32, #tpu.memory_space<vmem>>
      %dma_start3A_108 = tpu.memref_squeeze %dma_start3A_107 : memref<1x128x128xf32, #tpu.memory_space<vmem>> -> memref<128x128xf32, #tpu.memory_space<vmem>>
      %dma_start3A_109 = arith.constant 0 : i32
      %dma_start3A_110 = tpu.memref_slice %arg4[%add3A_103, %dma_start3A_109] : memref<204800x128xf32, #tpu.memory_space<hbm>> -> memref<128x128xf32, #tpu.memory_space<hbm>>
      %dma_start3A_111 = arith.constant 0 : i32
      %dma_start3A_112 = tpu.memref_slice %arg4[%add3A_103, %dma_start3A_111] : memref<204800x128xf32, #tpu.memory_space<hbm>> -> memref<128x128xf32, #tpu.memory_space<hbm>>
      %dma_start3A_113 = arith.constant 0 : i32
      %dma_start3A_114 = arith.constant 0 : i32
      %dma_start3A_115 = tpu.memref_slice %arg6[%dma_start3A_104, %dma_start3A_113, %dma_start3A_114] : memref<5x128x128xf32, #tpu.memory_space<vmem>> -> memref<1x128x128xf32, #tpu.memory_space<vmem>>
      %dma_start3A_116 = tpu.memref_squeeze %dma_start3A_115 : memref<1x128x128xf32, #tpu.memory_space<vmem>> -> memref<128x128xf32, #tpu.memory_space<vmem>>
      tpu.enqueue_dma source(%dma_start3A_116 : memref<128x128xf32, #tpu.memory_space<vmem>>) target(%dma_start3A_112 : memref<128x128xf32, #tpu.memory_space<hbm>>) target_semaphore(%arg12 : memref<!tpu.dma_semaphore, #tpu.memory_space<semaphore_mem>>)
      %mul3A_117 = arith.constant 5 : i32
      %mul3A_118 = arith.muli %mul3A_117, %scan3A_69 : i32
      %add3A_119 = arith.constant 1 : i32
      %add3A_120 = arith.addi %mul3A_118, %add3A_119 : i32
      %sub3A_121 = arith.constant 1 : i32
      %sub3A_122 = arith.subi %add3A_120, %sub3A_121 : i32
      %mul3A_123 = arith.constant 128 : i32
      %mul3A_124 = arith.muli %sub3A_122, %mul3A_123 : i32
      %add3A_125 = arith.addi %mul3A_2, %mul3A_124 : i32
      %dma_wait3A_126 = arith.constant 0 : i32
      %dma_wait3A_127 = arith.constant 0 : i32
      %dma_wait3A_128 = arith.constant 0 : i32
      %dma_wait3A_129 = tpu.memref_slice %arg6[%dma_wait3A_126, %dma_wait3A_127, %dma_wait3A_128] : memref<5x128x128xf32, #tpu.memory_space<vmem>> -> memref<1x128x128xf32, #tpu.memory_space<vmem>>
      %dma_wait3A_130 = tpu.memref_squeeze %dma_wait3A_129 : memref<1x128x128xf32, #tpu.memory_space<vmem>> -> memref<128x128xf32, #tpu.memory_space<vmem>>
      %dma_wait3A_131 = arith.constant 0 : i32
      %dma_wait3A_132 = tpu.memref_slice %arg4[%add3A_125, %dma_wait3A_131] : memref<204800x128xf32, #tpu.memory_space<hbm>> -> memref<128x128xf32, #tpu.memory_space<hbm>>
      %dma_wait3A_133 = arith.constant 0 : i32
      %dma_wait3A_134 = tpu.memref_slice %arg4[%add3A_125, %dma_wait3A_133] : memref<204800x128xf32, #tpu.memory_space<hbm>> -> memref<128x128xf32, #tpu.memory_space<hbm>>
      %dma_wait3A_135 = arith.constant 0 : i32
      %dma_wait3A_136 = arith.constant 0 : i32
      %dma_wait3A_137 = tpu.memref_slice %arg6[%dma_wait3A_126, %dma_wait3A_135, %dma_wait3A_136] : memref<5x128x128xf32, #tpu.memory_space<vmem>> -> memref<1x128x128xf32, #tpu.memory_space<vmem>>
      %dma_wait3A_138 = tpu.memref_squeeze %dma_wait3A_137 : memref<1x128x128xf32, #tpu.memory_space<vmem>> -> memref<128x128xf32, #tpu.memory_space<vmem>>
      tpu.wait_dma2 semaphore(%arg12 : memref<!tpu.dma_semaphore, #tpu.memory_space<semaphore_mem>>) src(%dma_wait3A_138 : memref<128x128xf32, #tpu.memory_space<vmem>>) dst(%dma_wait3A_134 : memref<128x128xf32, #tpu.memory_space<hbm>>)
      %add3A_139 = arith.constant 5 : i32
      %add3A_140 = arith.addi %add3A_120, %add3A_139 : i32
      %sub3A_141 = arith.constant 1 : i32
      %sub3A_142 = arith.subi %add3A_140, %sub3A_141 : i32
      %lt3A = arith.constant 50 : i32
      %lt3A_143 = arith.cmpi slt, %sub3A_142, %lt3A : i32
      %convert_element_type3A_144 = arith.extui %lt3A_143 : i1 to i32
      %cond3A_145 = arith.constant 0 : i32
      %cond3A_146 = arith.cmpi ne, %convert_element_type3A_144, %cond3A_145 : i32
      scf.if %cond3A_146 {
        %add3A_348 = arith.constant 5 : i32
        %add3A_349 = arith.addi %add3A_120, %add3A_348 : i32
        %sub3A_350 = arith.constant 1 : i32
        %sub3A_351 = arith.subi %add3A_349, %sub3A_350 : i32
        %dma_start3A_352 = arith.constant 0 : i32
        %dma_start3A_353 = arith.constant 0 : i32
        %dma_start3A_354 = arith.constant 0 : i32
        %dma_start3A_355 = tpu.memref_slice %arg6[%dma_start3A_352, %dma_start3A_353, %dma_start3A_354] : memref<5x128x128xf32, #tpu.memory_space<vmem>> -> memref<1x128x128xf32, #tpu.memory_space<vmem>>
        %dma_start3A_356 = tpu.memref_squeeze %dma_start3A_355 : memref<1x128x128xf32, #tpu.memory_space<vmem>> -> memref<128x128xf32, #tpu.memory_space<vmem>>
        %dma_start3A_357 = arith.constant 0 : i32
        %dma_start3A_358 = tpu.memref_slice %arg5[%sub3A_351, %dma_start3A_357] : memref<50x128xi32, #tpu.memory_space<vmem>> -> memref<1x128xi32, #tpu.memory_space<vmem>>
        %dma_start3A_359 = tpu.memref_squeeze %dma_start3A_358 : memref<1x128xi32, #tpu.memory_space<vmem>> -> memref<128xi32, #tpu.memory_space<vmem>>
        %dma_start3A_360 = arith.constant 0 : i32
        %dma_start3A_361 = arith.constant 0 : i32
        %dma_start3A_362 = tpu.memref_slice %arg3[%dma_start3A_360, %dma_start3A_361] : memref<100000x128xf32, #tpu.memory_space<hbm>> -> memref<100000x128xf32, #tpu.memory_space<hbm>>
        tpu.enqueue_indirect_dma source(%dma_start3A_362 : memref<100000x128xf32, #tpu.memory_space<hbm>>) target(%dma_start3A_356 : memref<128x128xf32, #tpu.memory_space<vmem>>) offsets(%dma_start3A_359 : memref<128xi32, #tpu.memory_space<vmem>>) semaphore(%arg7 : memref<!tpu.dma_semaphore, #tpu.memory_space<semaphore_mem>>)
      } else {
      }
      %dma_wait3A_147 = arith.constant 1 : i32
      %dma_wait3A_148 = arith.constant 0 : i32
      %dma_wait3A_149 = arith.constant 0 : i32
      %dma_wait3A_150 = tpu.memref_slice %arg6[%dma_wait3A_147, %dma_wait3A_148, %dma_wait3A_149] : memref<5x128x128xf32, #tpu.memory_space<vmem>> -> memref<1x128x128xf32, #tpu.memory_space<vmem>>
      %dma_wait3A_151 = tpu.memref_squeeze %dma_wait3A_150 : memref<1x128x128xf32, #tpu.memory_space<vmem>> -> memref<128x128xf32, #tpu.memory_space<vmem>>
      %dma_wait3A_152 = arith.constant 0 : i32
      %dma_wait3A_153 = tpu.memref_slice %arg5[%add3A_120, %dma_wait3A_152] : memref<50x128xi32, #tpu.memory_space<vmem>> -> memref<1x128xi32, #tpu.memory_space<vmem>>
      %dma_wait3A_154 = tpu.memref_squeeze %dma_wait3A_153 : memref<1x128xi32, #tpu.memory_space<vmem>> -> memref<128xi32, #tpu.memory_space<vmem>>
      %dma_wait3A_155 = arith.constant 0 : i32
      %dma_wait3A_156 = arith.constant 0 : i32
      %dma_wait3A_157 = tpu.memref_slice %arg3[%dma_wait3A_155, %dma_wait3A_156] : memref<100000x128xf32, #tpu.memory_space<hbm>> -> memref<100000x128xf32, #tpu.memory_space<hbm>>
      tpu.wait_indirect_dma semaphore(%arg8 : memref<!tpu.dma_semaphore, #tpu.memory_space<semaphore_mem>>) src(%dma_wait3A_157 : memref<100000x128xf32, #tpu.memory_space<hbm>>) dst(%dma_wait3A_151 : memref<128x128xf32, #tpu.memory_space<vmem>>)
      %mul3A_158 = arith.constant 128 : i32
      %mul3A_159 = arith.muli %add3A_120, %mul3A_158 : i32
      %add3A_160 = arith.addi %mul3A_2, %mul3A_159 : i32
      %dma_start3A_161 = arith.constant 1 : i32
      %dma_start3A_162 = arith.constant 0 : i32
      %dma_start3A_163 = arith.constant 0 : i32
      %dma_start3A_164 = tpu.memref_slice %arg6[%dma_start3A_161, %dma_start3A_162, %dma_start3A_163] : memref<5x128x128xf32, #tpu.memory_space<vmem>> -> memref<1x128x128xf32, #tpu.memory_space<vmem>>
      %dma_start3A_165 = tpu.memref_squeeze %dma_start3A_164 : memref<1x128x128xf32, #tpu.memory_space<vmem>> -> memref<128x128xf32, #tpu.memory_space<vmem>>
      %dma_start3A_166 = arith.constant 0 : i32
      %dma_start3A_167 = tpu.memref_slice %arg4[%add3A_160, %dma_start3A_166] : memref<204800x128xf32, #tpu.memory_space<hbm>> -> memref<128x128xf32, #tpu.memory_space<hbm>>
      %dma_start3A_168 = arith.constant 0 : i32
      %dma_start3A_169 = tpu.memref_slice %arg4[%add3A_160, %dma_start3A_168] : memref<204800x128xf32, #tpu.memory_space<hbm>> -> memref<128x128xf32, #tpu.memory_space<hbm>>
      %dma_start3A_170 = arith.constant 0 : i32
      %dma_start3A_171 = arith.constant 0 : i32
      %dma_start3A_172 = tpu.memref_slice %arg6[%dma_start3A_161, %dma_start3A_170, %dma_start3A_171] : memref<5x128x128xf32, #tpu.memory_space<vmem>> -> memref<1x128x128xf32, #tpu.memory_space<vmem>>
      %dma_start3A_173 = tpu.memref_squeeze %dma_start3A_172 : memref<1x128x128xf32, #tpu.memory_space<vmem>> -> memref<128x128xf32, #tpu.memory_space<vmem>>
      tpu.enqueue_dma source(%dma_start3A_173 : memref<128x128xf32, #tpu.memory_space<vmem>>) target(%dma_start3A_169 : memref<128x128xf32, #tpu.memory_space<hbm>>) target_semaphore(%arg13 : memref<!tpu.dma_semaphore, #tpu.memory_space<semaphore_mem>>)
      %mul3A_174 = arith.constant 5 : i32
      %mul3A_175 = arith.muli %mul3A_174, %scan3A_69 : i32
      %add3A_176 = arith.constant 2 : i32
      %add3A_177 = arith.addi %mul3A_175, %add3A_176 : i32
      %sub3A_178 = arith.constant 1 : i32
      %sub3A_179 = arith.subi %add3A_177, %sub3A_178 : i32
      %mul3A_180 = arith.constant 128 : i32
      %mul3A_181 = arith.muli %sub3A_179, %mul3A_180 : i32
      %add3A_182 = arith.addi %mul3A_2, %mul3A_181 : i32
      %dma_wait3A_183 = arith.constant 1 : i32
      %dma_wait3A_184 = arith.constant 0 : i32
      %dma_wait3A_185 = arith.constant 0 : i32
      %dma_wait3A_186 = tpu.memref_slice %arg6[%dma_wait3A_183, %dma_wait3A_184, %dma_wait3A_185] : memref<5x128x128xf32, #tpu.memory_space<vmem>> -> memref<1x128x128xf32, #tpu.memory_space<vmem>>
      %dma_wait3A_187 = tpu.memref_squeeze %dma_wait3A_186 : memref<1x128x128xf32, #tpu.memory_space<vmem>> -> memref<128x128xf32, #tpu.memory_space<vmem>>
      %dma_wait3A_188 = arith.constant 0 : i32
      %dma_wait3A_189 = tpu.memref_slice %arg4[%add3A_182, %dma_wait3A_188] : memref<204800x128xf32, #tpu.memory_space<hbm>> -> memref<128x128xf32, #tpu.memory_space<hbm>>
      %dma_wait3A_190 = arith.constant 0 : i32
      %dma_wait3A_191 = tpu.memref_slice %arg4[%add3A_182, %dma_wait3A_190] : memref<204800x128xf32, #tpu.memory_space<hbm>> -> memref<128x128xf32, #tpu.memory_space<hbm>>
      %dma_wait3A_192 = arith.constant 0 : i32
      %dma_wait3A_193 = arith.constant 0 : i32
      %dma_wait3A_194 = tpu.memref_slice %arg6[%dma_wait3A_183, %dma_wait3A_192, %dma_wait3A_193] : memref<5x128x128xf32, #tpu.memory_space<vmem>> -> memref<1x128x128xf32, #tpu.memory_space<vmem>>
      %dma_wait3A_195 = tpu.memref_squeeze %dma_wait3A_194 : memref<1x128x128xf32, #tpu.memory_space<vmem>> -> memref<128x128xf32, #tpu.memory_space<vmem>>
      tpu.wait_dma2 semaphore(%arg13 : memref<!tpu.dma_semaphore, #tpu.memory_space<semaphore_mem>>) src(%dma_wait3A_195 : memref<128x128xf32, #tpu.memory_space<vmem>>) dst(%dma_wait3A_191 : memref<128x128xf32, #tpu.memory_space<hbm>>)
      %add3A_196 = arith.constant 5 : i32
      %add3A_197 = arith.addi %add3A_177, %add3A_196 : i32
      %sub3A_198 = arith.constant 1 : i32
      %sub3A_199 = arith.subi %add3A_197, %sub3A_198 : i32
      %lt3A_200 = arith.constant 50 : i32
      %lt3A_201 = arith.cmpi slt, %sub3A_199, %lt3A_200 : i32
      %convert_element_type3A_202 = arith.extui %lt3A_201 : i1 to i32
      %cond3A_203 = arith.constant 0 : i32
      %cond3A_204 = arith.cmpi ne, %convert_element_type3A_202, %cond3A_203 : i32
      scf.if %cond3A_204 {
        %add3A_348 = arith.constant 5 : i32
        %add3A_349 = arith.addi %add3A_177, %add3A_348 : i32
        %sub3A_350 = arith.constant 1 : i32
        %sub3A_351 = arith.subi %add3A_349, %sub3A_350 : i32
        %dma_start3A_352 = arith.constant 1 : i32
        %dma_start3A_353 = arith.constant 0 : i32
        %dma_start3A_354 = arith.constant 0 : i32
        %dma_start3A_355 = tpu.memref_slice %arg6[%dma_start3A_352, %dma_start3A_353, %dma_start3A_354] : memref<5x128x128xf32, #tpu.memory_space<vmem>> -> memref<1x128x128xf32, #tpu.memory_space<vmem>>
        %dma_start3A_356 = tpu.memref_squeeze %dma_start3A_355 : memref<1x128x128xf32, #tpu.memory_space<vmem>> -> memref<128x128xf32, #tpu.memory_space<vmem>>
        %dma_start3A_357 = arith.constant 0 : i32
        %dma_start3A_358 = tpu.memref_slice %arg5[%sub3A_351, %dma_start3A_357] : memref<50x128xi32, #tpu.memory_space<vmem>> -> memref<1x128xi32, #tpu.memory_space<vmem>>
        %dma_start3A_359 = tpu.memref_squeeze %dma_start3A_358 : memref<1x128xi32, #tpu.memory_space<vmem>> -> memref<128xi32, #tpu.memory_space<vmem>>
        %dma_start3A_360 = arith.constant 0 : i32
        %dma_start3A_361 = arith.constant 0 : i32
        %dma_start3A_362 = tpu.memref_slice %arg3[%dma_start3A_360, %dma_start3A_361] : memref<100000x128xf32, #tpu.memory_space<hbm>> -> memref<100000x128xf32, #tpu.memory_space<hbm>>
        tpu.enqueue_indirect_dma source(%dma_start3A_362 : memref<100000x128xf32, #tpu.memory_space<hbm>>) target(%dma_start3A_356 : memref<128x128xf32, #tpu.memory_space<vmem>>) offsets(%dma_start3A_359 : memref<128xi32, #tpu.memory_space<vmem>>) semaphore(%arg8 : memref<!tpu.dma_semaphore, #tpu.memory_space<semaphore_mem>>)
      } else {
      }
      %dma_wait3A_205 = arith.constant 2 : i32
      %dma_wait3A_206 = arith.constant 0 : i32
      %dma_wait3A_207 = arith.constant 0 : i32
      %dma_wait3A_208 = tpu.memref_slice %arg6[%dma_wait3A_205, %dma_wait3A_206, %dma_wait3A_207] : memref<5x128x128xf32, #tpu.memory_space<vmem>> -> memref<1x128x128xf32, #tpu.memory_space<vmem>>
      %dma_wait3A_209 = tpu.memref_squeeze %dma_wait3A_208 : memref<1x128x128xf32, #tpu.memory_space<vmem>> -> memref<128x128xf32, #tpu.memory_space<vmem>>
      %dma_wait3A_210 = arith.constant 0 : i32
      %dma_wait3A_211 = tpu.memref_slice %arg5[%add3A_177, %dma_wait3A_210] : memref<50x128xi32, #tpu.memory_space<vmem>> -> memref<1x128xi32, #tpu.memory_space<vmem>>
      %dma_wait3A_212 = tpu.memref_squeeze %dma_wait3A_211 : memref<1x128xi32, #tpu.memory_space<vmem>> -> memref<128xi32, #tpu.memory_space<vmem>>
      %dma_wait3A_213 = arith.constant 0 : i32
      %dma_wait3A_214 = arith.constant 0 : i32
      %dma_wait3A_215 = tpu.memref_slice %arg3[%dma_wait3A_213, %dma_wait3A_214] : memref<100000x128xf32, #tpu.memory_space<hbm>> -> memref<100000x128xf32, #tpu.memory_space<hbm>>
      tpu.wait_indirect_dma semaphore(%arg9 : memref<!tpu.dma_semaphore, #tpu.memory_space<semaphore_mem>>) src(%dma_wait3A_215 : memref<100000x128xf32, #tpu.memory_space<hbm>>) dst(%dma_wait3A_209 : memref<128x128xf32, #tpu.memory_space<vmem>>)
      %mul3A_216 = arith.constant 128 : i32
      %mul3A_217 = arith.muli %add3A_177, %mul3A_216 : i32
      %add3A_218 = arith.addi %mul3A_2, %mul3A_217 : i32
      %dma_start3A_219 = arith.constant 2 : i32
      %dma_start3A_220 = arith.constant 0 : i32
      %dma_start3A_221 = arith.constant 0 : i32
      %dma_start3A_222 = tpu.memref_slice %arg6[%dma_start3A_219, %dma_start3A_220, %dma_start3A_221] : memref<5x128x128xf32, #tpu.memory_space<vmem>> -> memref<1x128x128xf32, #tpu.memory_space<vmem>>
      %dma_start3A_223 = tpu.memref_squeeze %dma_start3A_222 : memref<1x128x128xf32, #tpu.memory_space<vmem>> -> memref<128x128xf32, #tpu.memory_space<vmem>>
      %dma_start3A_224 = arith.constant 0 : i32
      %dma_start3A_225 = tpu.memref_slice %arg4[%add3A_218, %dma_start3A_224] : memref<204800x128xf32, #tpu.memory_space<hbm>> -> memref<128x128xf32, #tpu.memory_space<hbm>>
      %dma_start3A_226 = arith.constant 0 : i32
      %dma_start3A_227 = tpu.memref_slice %arg4[%add3A_218, %dma_start3A_226] : memref<204800x128xf32, #tpu.memory_space<hbm>> -> memref<128x128xf32, #tpu.memory_space<hbm>>
      %dma_start3A_228 = arith.constant 0 : i32
      %dma_start3A_229 = arith.constant 0 : i32
      %dma_start3A_230 = tpu.memref_slice %arg6[%dma_start3A_219, %dma_start3A_228, %dma_start3A_229] : memref<5x128x128xf32, #tpu.memory_space<vmem>> -> memref<1x128x128xf32, #tpu.memory_space<vmem>>
      %dma_start3A_231 = tpu.memref_squeeze %dma_start3A_230 : memref<1x128x128xf32, #tpu.memory_space<vmem>> -> memref<128x128xf32, #tpu.memory_space<vmem>>
      tpu.enqueue_dma source(%dma_start3A_231 : memref<128x128xf32, #tpu.memory_space<vmem>>) target(%dma_start3A_227 : memref<128x128xf32, #tpu.memory_space<hbm>>) target_semaphore(%arg14 : memref<!tpu.dma_semaphore, #tpu.memory_space<semaphore_mem>>)
      %mul3A_232 = arith.constant 5 : i32
      %mul3A_233 = arith.muli %mul3A_232, %scan3A_69 : i32
      %add3A_234 = arith.constant 3 : i32
      %add3A_235 = arith.addi %mul3A_233, %add3A_234 : i32
      %sub3A_236 = arith.constant 1 : i32
      %sub3A_237 = arith.subi %add3A_235, %sub3A_236 : i32
      %mul3A_238 = arith.constant 128 : i32
      %mul3A_239 = arith.muli %sub3A_237, %mul3A_238 : i32
      %add3A_240 = arith.addi %mul3A_2, %mul3A_239 : i32
      %dma_wait3A_241 = arith.constant 2 : i32
      %dma_wait3A_242 = arith.constant 0 : i32
      %dma_wait3A_243 = arith.constant 0 : i32
      %dma_wait3A_244 = tpu.memref_slice %arg6[%dma_wait3A_241, %dma_wait3A_242, %dma_wait3A_243] : memref<5x128x128xf32, #tpu.memory_space<vmem>> -> memref<1x128x128xf32, #tpu.memory_space<vmem>>
      %dma_wait3A_245 = tpu.memref_squeeze %dma_wait3A_244 : memref<1x128x128xf32, #tpu.memory_space<vmem>> -> memref<128x128xf32, #tpu.memory_space<vmem>>
      %dma_wait3A_246 = arith.constant 0 : i32
      %dma_wait3A_247 = tpu.memref_slice %arg4[%add3A_240, %dma_wait3A_246] : memref<204800x128xf32, #tpu.memory_space<hbm>> -> memref<128x128xf32, #tpu.memory_space<hbm>>
      %dma_wait3A_248 = arith.constant 0 : i32
      %dma_wait3A_249 = tpu.memref_slice %arg4[%add3A_240, %dma_wait3A_248] : memref<204800x128xf32, #tpu.memory_space<hbm>> -> memref<128x128xf32, #tpu.memory_space<hbm>>
      %dma_wait3A_250 = arith.constant 0 : i32
      %dma_wait3A_251 = arith.constant 0 : i32
      %dma_wait3A_252 = tpu.memref_slice %arg6[%dma_wait3A_241, %dma_wait3A_250, %dma_wait3A_251] : memref<5x128x128xf32, #tpu.memory_space<vmem>> -> memref<1x128x128xf32, #tpu.memory_space<vmem>>
      %dma_wait3A_253 = tpu.memref_squeeze %dma_wait3A_252 : memref<1x128x128xf32, #tpu.memory_space<vmem>> -> memref<128x128xf32, #tpu.memory_space<vmem>>
      tpu.wait_dma2 semaphore(%arg14 : memref<!tpu.dma_semaphore, #tpu.memory_space<semaphore_mem>>) src(%dma_wait3A_253 : memref<128x128xf32, #tpu.memory_space<vmem>>) dst(%dma_wait3A_249 : memref<128x128xf32, #tpu.memory_space<hbm>>)
      %add3A_254 = arith.constant 5 : i32
      %add3A_255 = arith.addi %add3A_235, %add3A_254 : i32
      %sub3A_256 = arith.constant 1 : i32
      %sub3A_257 = arith.subi %add3A_255, %sub3A_256 : i32
      %lt3A_258 = arith.constant 50 : i32
      %lt3A_259 = arith.cmpi slt, %sub3A_257, %lt3A_258 : i32
      %convert_element_type3A_260 = arith.extui %lt3A_259 : i1 to i32
      %cond3A_261 = arith.constant 0 : i32
      %cond3A_262 = arith.cmpi ne, %convert_element_type3A_260, %cond3A_261 : i32
      scf.if %cond3A_262 {
        %add3A_348 = arith.constant 5 : i32
        %add3A_349 = arith.addi %add3A_235, %add3A_348 : i32
        %sub3A_350 = arith.constant 1 : i32
        %sub3A_351 = arith.subi %add3A_349, %sub3A_350 : i32
        %dma_start3A_352 = arith.constant 2 : i32
        %dma_start3A_353 = arith.constant 0 : i32
        %dma_start3A_354 = arith.constant 0 : i32
        %dma_start3A_355 = tpu.memref_slice %arg6[%dma_start3A_352, %dma_start3A_353, %dma_start3A_354] : memref<5x128x128xf32, #tpu.memory_space<vmem>> -> memref<1x128x128xf32, #tpu.memory_space<vmem>>
        %dma_start3A_356 = tpu.memref_squeeze %dma_start3A_355 : memref<1x128x128xf32, #tpu.memory_space<vmem>> -> memref<128x128xf32, #tpu.memory_space<vmem>>
        %dma_start3A_357 = arith.constant 0 : i32
        %dma_start3A_358 = tpu.memref_slice %arg5[%sub3A_351, %dma_start3A_357] : memref<50x128xi32, #tpu.memory_space<vmem>> -> memref<1x128xi32, #tpu.memory_space<vmem>>
        %dma_start3A_359 = tpu.memref_squeeze %dma_start3A_358 : memref<1x128xi32, #tpu.memory_space<vmem>> -> memref<128xi32, #tpu.memory_space<vmem>>
        %dma_start3A_360 = arith.constant 0 : i32
        %dma_start3A_361 = arith.constant 0 : i32
        %dma_start3A_362 = tpu.memref_slice %arg3[%dma_start3A_360, %dma_start3A_361] : memref<100000x128xf32, #tpu.memory_space<hbm>> -> memref<100000x128xf32, #tpu.memory_space<hbm>>
        tpu.enqueue_indirect_dma source(%dma_start3A_362 : memref<100000x128xf32, #tpu.memory_space<hbm>>) target(%dma_start3A_356 : memref<128x128xf32, #tpu.memory_space<vmem>>) offsets(%dma_start3A_359 : memref<128xi32, #tpu.memory_space<vmem>>) semaphore(%arg9 : memref<!tpu.dma_semaphore, #tpu.memory_space<semaphore_mem>>)
      } else {
      }
      %dma_wait3A_263 = arith.constant 3 : i32
      %dma_wait3A_264 = arith.constant 0 : i32
      %dma_wait3A_265 = arith.constant 0 : i32
      %dma_wait3A_266 = tpu.memref_slice %arg6[%dma_wait3A_263, %dma_wait3A_264, %dma_wait3A_265] : memref<5x128x128xf32, #tpu.memory_space<vmem>> -> memref<1x128x128xf32, #tpu.memory_space<vmem>>
      %dma_wait3A_267 = tpu.memref_squeeze %dma_wait3A_266 : memref<1x128x128xf32, #tpu.memory_space<vmem>> -> memref<128x128xf32, #tpu.memory_space<vmem>>
      %dma_wait3A_268 = arith.constant 0 : i32
      %dma_wait3A_269 = tpu.memref_slice %arg5[%add3A_235, %dma_wait3A_268] : memref<50x128xi32, #tpu.memory_space<vmem>> -> memref<1x128xi32, #tpu.memory_space<vmem>>
      %dma_wait3A_270 = tpu.memref_squeeze %dma_wait3A_269 : memref<1x128xi32, #tpu.memory_space<vmem>> -> memref<128xi32, #tpu.memory_space<vmem>>
      %dma_wait3A_271 = arith.constant 0 : i32
      %dma_wait3A_272 = arith.constant 0 : i32
      %dma_wait3A_273 = tpu.memref_slice %arg3[%dma_wait3A_271, %dma_wait3A_272] : memref<100000x128xf32, #tpu.memory_space<hbm>> -> memref<100000x128xf32, #tpu.memory_space<hbm>>
      tpu.wait_indirect_dma semaphore(%arg10 : memref<!tpu.dma_semaphore, #tpu.memory_space<semaphore_mem>>) src(%dma_wait3A_273 : memref<100000x128xf32, #tpu.memory_space<hbm>>) dst(%dma_wait3A_267 : memref<128x128xf32, #tpu.memory_space<vmem>>)
      %mul3A_274 = arith.constant 128 : i32
      %mul3A_275 = arith.muli %add3A_235, %mul3A_274 : i32
      %add3A_276 = arith.addi %mul3A_2, %mul3A_275 : i32
      %dma_start3A_277 = arith.constant 3 : i32
      %dma_start3A_278 = arith.constant 0 : i32
      %dma_start3A_279 = arith.constant 0 : i32
      %dma_start3A_280 = tpu.memref_slice %arg6[%dma_start3A_277, %dma_start3A_278, %dma_start3A_279] : memref<5x128x128xf32, #tpu.memory_space<vmem>> -> memref<1x128x128xf32, #tpu.memory_space<vmem>>
      %dma_start3A_281 = tpu.memref_squeeze %dma_start3A_280 : memref<1x128x128xf32, #tpu.memory_space<vmem>> -> memref<128x128xf32, #tpu.memory_space<vmem>>
      %dma_start3A_282 = arith.constant 0 : i32
      %dma_start3A_283 = tpu.memref_slice %arg4[%add3A_276, %dma_start3A_282] : memref<204800x128xf32, #tpu.memory_space<hbm>> -> memref<128x128xf32, #tpu.memory_space<hbm>>
      %dma_start3A_284 = arith.constant 0 : i32
      %dma_start3A_285 = tpu.memref_slice %arg4[%add3A_276, %dma_start3A_284] : memref<204800x128xf32, #tpu.memory_space<hbm>> -> memref<128x128xf32, #tpu.memory_space<hbm>>
      %dma_start3A_286 = arith.constant 0 : i32
      %dma_start3A_287 = arith.constant 0 : i32
      %dma_start3A_288 = tpu.memref_slice %arg6[%dma_start3A_277, %dma_start3A_286, %dma_start3A_287] : memref<5x128x128xf32, #tpu.memory_space<vmem>> -> memref<1x128x128xf32, #tpu.memory_space<vmem>>
      %dma_start3A_289 = tpu.memref_squeeze %dma_start3A_288 : memref<1x128x128xf32, #tpu.memory_space<vmem>> -> memref<128x128xf32, #tpu.memory_space<vmem>>
      tpu.enqueue_dma source(%dma_start3A_289 : memref<128x128xf32, #tpu.memory_space<vmem>>) target(%dma_start3A_285 : memref<128x128xf32, #tpu.memory_space<hbm>>) target_semaphore(%arg15 : memref<!tpu.dma_semaphore, #tpu.memory_space<semaphore_mem>>)
      %mul3A_290 = arith.constant 5 : i32
      %mul3A_291 = arith.muli %mul3A_290, %scan3A_69 : i32
      %add3A_292 = arith.constant 4 : i32
      %add3A_293 = arith.addi %mul3A_291, %add3A_292 : i32
      %sub3A_294 = arith.constant 1 : i32
      %sub3A_295 = arith.subi %add3A_293, %sub3A_294 : i32
      %mul3A_296 = arith.constant 128 : i32
      %mul3A_297 = arith.muli %sub3A_295, %mul3A_296 : i32
      %add3A_298 = arith.addi %mul3A_2, %mul3A_297 : i32
      %dma_wait3A_299 = arith.constant 3 : i32
      %dma_wait3A_300 = arith.constant 0 : i32
      %dma_wait3A_301 = arith.constant 0 : i32
      %dma_wait3A_302 = tpu.memref_slice %arg6[%dma_wait3A_299, %dma_wait3A_300, %dma_wait3A_301] : memref<5x128x128xf32, #tpu.memory_space<vmem>> -> memref<1x128x128xf32, #tpu.memory_space<vmem>>
      %dma_wait3A_303 = tpu.memref_squeeze %dma_wait3A_302 : memref<1x128x128xf32, #tpu.memory_space<vmem>> -> memref<128x128xf32, #tpu.memory_space<vmem>>
      %dma_wait3A_304 = arith.constant 0 : i32
      %dma_wait3A_305 = tpu.memref_slice %arg4[%add3A_298, %dma_wait3A_304] : memref<204800x128xf32, #tpu.memory_space<hbm>> -> memref<128x128xf32, #tpu.memory_space<hbm>>
      %dma_wait3A_306 = arith.constant 0 : i32
      %dma_wait3A_307 = tpu.memref_slice %arg4[%add3A_298, %dma_wait3A_306] : memref<204800x128xf32, #tpu.memory_space<hbm>> -> memref<128x128xf32, #tpu.memory_space<hbm>>
      %dma_wait3A_308 = arith.constant 0 : i32
      %dma_wait3A_309 = arith.constant 0 : i32
      %dma_wait3A_310 = tpu.memref_slice %arg6[%dma_wait3A_299, %dma_wait3A_308, %dma_wait3A_309] : memref<5x128x128xf32, #tpu.memory_space<vmem>> -> memref<1x128x128xf32, #tpu.memory_space<vmem>>
      %dma_wait3A_311 = tpu.memref_squeeze %dma_wait3A_310 : memref<1x128x128xf32, #tpu.memory_space<vmem>> -> memref<128x128xf32, #tpu.memory_space<vmem>>
      tpu.wait_dma2 semaphore(%arg15 : memref<!tpu.dma_semaphore, #tpu.memory_space<semaphore_mem>>) src(%dma_wait3A_311 : memref<128x128xf32, #tpu.memory_space<vmem>>) dst(%dma_wait3A_307 : memref<128x128xf32, #tpu.memory_space<hbm>>)
      %add3A_312 = arith.constant 5 : i32
      %add3A_313 = arith.addi %add3A_293, %add3A_312 : i32
      %sub3A_314 = arith.constant 1 : i32
      %sub3A_315 = arith.subi %add3A_313, %sub3A_314 : i32
      %lt3A_316 = arith.constant 50 : i32
      %lt3A_317 = arith.cmpi slt, %sub3A_315, %lt3A_316 : i32
      %convert_element_type3A_318 = arith.extui %lt3A_317 : i1 to i32
      %cond3A_319 = arith.constant 0 : i32
      %cond3A_320 = arith.cmpi ne, %convert_element_type3A_318, %cond3A_319 : i32
      scf.if %cond3A_320 {
        %add3A_348 = arith.constant 5 : i32
        %add3A_349 = arith.addi %add3A_293, %add3A_348 : i32
        %sub3A_350 = arith.constant 1 : i32
        %sub3A_351 = arith.subi %add3A_349, %sub3A_350 : i32
        %dma_start3A_352 = arith.constant 3 : i32
        %dma_start3A_353 = arith.constant 0 : i32
        %dma_start3A_354 = arith.constant 0 : i32
        %dma_start3A_355 = tpu.memref_slice %arg6[%dma_start3A_352, %dma_start3A_353, %dma_start3A_354] : memref<5x128x128xf32, #tpu.memory_space<vmem>> -> memref<1x128x128xf32, #tpu.memory_space<vmem>>
        %dma_start3A_356 = tpu.memref_squeeze %dma_start3A_355 : memref<1x128x128xf32, #tpu.memory_space<vmem>> -> memref<128x128xf32, #tpu.memory_space<vmem>>
        %dma_start3A_357 = arith.constant 0 : i32
        %dma_start3A_358 = tpu.memref_slice %arg5[%sub3A_351, %dma_start3A_357] : memref<50x128xi32, #tpu.memory_space<vmem>> -> memref<1x128xi32, #tpu.memory_space<vmem>>
        %dma_start3A_359 = tpu.memref_squeeze %dma_start3A_358 : memref<1x128xi32, #tpu.memory_space<vmem>> -> memref<128xi32, #tpu.memory_space<vmem>>
        %dma_start3A_360 = arith.constant 0 : i32
        %dma_start3A_361 = arith.constant 0 : i32
        %dma_start3A_362 = tpu.memref_slice %arg3[%dma_start3A_360, %dma_start3A_361] : memref<100000x128xf32, #tpu.memory_space<hbm>> -> memref<100000x128xf32, #tpu.memory_space<hbm>>
        tpu.enqueue_indirect_dma source(%dma_start3A_362 : memref<100000x128xf32, #tpu.memory_space<hbm>>) target(%dma_start3A_356 : memref<128x128xf32, #tpu.memory_space<vmem>>) offsets(%dma_start3A_359 : memref<128xi32, #tpu.memory_space<vmem>>) semaphore(%arg10 : memref<!tpu.dma_semaphore, #tpu.memory_space<semaphore_mem>>)
      } else {
      }
      %dma_wait3A_321 = arith.constant 4 : i32
      %dma_wait3A_322 = arith.constant 0 : i32
      %dma_wait3A_323 = arith.constant 0 : i32
      %dma_wait3A_324 = tpu.memref_slice %arg6[%dma_wait3A_321, %dma_wait3A_322, %dma_wait3A_323] : memref<5x128x128xf32, #tpu.memory_space<vmem>> -> memref<1x128x128xf32, #tpu.memory_space<vmem>>
      %dma_wait3A_325 = tpu.memref_squeeze %dma_wait3A_324 : memref<1x128x128xf32, #tpu.memory_space<vmem>> -> memref<128x128xf32, #tpu.memory_space<vmem>>
      %dma_wait3A_326 = arith.constant 0 : i32
      %dma_wait3A_327 = tpu.memref_slice %arg5[%add3A_293, %dma_wait3A_326] : memref<50x128xi32, #tpu.memory_space<vmem>> -> memref<1x128xi32, #tpu.memory_space<vmem>>
      %dma_wait3A_328 = tpu.memref_squeeze %dma_wait3A_327 : memref<1x128xi32, #tpu.memory_space<vmem>> -> memref<128xi32, #tpu.memory_space<vmem>>
      %dma_wait3A_329 = arith.constant 0 : i32
      %dma_wait3A_330 = arith.constant 0 : i32
      %dma_wait3A_331 = tpu.memref_slice %arg3[%dma_wait3A_329, %dma_wait3A_330] : memref<100000x128xf32, #tpu.memory_space<hbm>> -> memref<100000x128xf32, #tpu.memory_space<hbm>>
      tpu.wait_indirect_dma semaphore(%arg11 : memref<!tpu.dma_semaphore, #tpu.memory_space<semaphore_mem>>) src(%dma_wait3A_331 : memref<100000x128xf32, #tpu.memory_space<hbm>>) dst(%dma_wait3A_325 : memref<128x128xf32, #tpu.memory_space<vmem>>)
      %mul3A_332 = arith.constant 128 : i32
      %mul3A_333 = arith.muli %add3A_293, %mul3A_332 : i32
      %add3A_334 = arith.addi %mul3A_2, %mul3A_333 : i32
      %dma_start3A_335 = arith.constant 4 : i32
      %dma_start3A_336 = arith.constant 0 : i32
      %dma_start3A_337 = arith.constant 0 : i32
      %dma_start3A_338 = tpu.memref_slice %arg6[%dma_start3A_335, %dma_start3A_336, %dma_start3A_337] : memref<5x128x128xf32, #tpu.memory_space<vmem>> -> memref<1x128x128xf32, #tpu.memory_space<vmem>>
      %dma_start3A_339 = tpu.memref_squeeze %dma_start3A_338 : memref<1x128x128xf32, #tpu.memory_space<vmem>> -> memref<128x128xf32, #tpu.memory_space<vmem>>
      %dma_start3A_340 = arith.constant 0 : i32
      %dma_start3A_341 = tpu.memref_slice %arg4[%add3A_334, %dma_start3A_340] : memref<204800x128xf32, #tpu.memory_space<hbm>> -> memref<128x128xf32, #tpu.memory_space<hbm>>
      %dma_start3A_342 = arith.constant 0 : i32
      %dma_start3A_343 = tpu.memref_slice %arg4[%add3A_334, %dma_start3A_342] : memref<204800x128xf32, #tpu.memory_space<hbm>> -> memref<128x128xf32, #tpu.memory_space<hbm>>
      %dma_start3A_344 = arith.constant 0 : i32
      %dma_start3A_345 = arith.constant 0 : i32
      %dma_start3A_346 = tpu.memref_slice %arg6[%dma_start3A_335, %dma_start3A_344, %dma_start3A_345] : memref<5x128x128xf32, #tpu.memory_space<vmem>> -> memref<1x128x128xf32, #tpu.memory_space<vmem>>
      %dma_start3A_347 = tpu.memref_squeeze %dma_start3A_346 : memref<1x128x128xf32, #tpu.memory_space<vmem>> -> memref<128x128xf32, #tpu.memory_space<vmem>>
      tpu.enqueue_dma source(%dma_start3A_347 : memref<128x128xf32, #tpu.memory_space<vmem>>) target(%dma_start3A_343 : memref<128x128xf32, #tpu.memory_space<hbm>>) target_semaphore(%arg16 : memref<!tpu.dma_semaphore, #tpu.memory_space<semaphore_mem>>)
    }
    %scan3A_54 = arith.constant 10 : i32
    %add3A_55 = arith.constant 6272 : i32
    %add3A_56 = arith.addi %mul3A_2, %add3A_55 : i32
    %dma_wait3A = arith.constant 4 : i32
    %dma_wait3A_57 = arith.constant 0 : i32
    %dma_wait3A_58 = arith.constant 0 : i32
    %dma_wait3A_59 = tpu.memref_slice %arg6[%dma_wait3A, %dma_wait3A_57, %dma_wait3A_58] : memref<5x128x128xf32, #tpu.memory_space<vmem>> -> memref<1x128x128xf32, #tpu.memory_space<vmem>>
    %dma_wait3A_60 = tpu.memref_squeeze %dma_wait3A_59 : memref<1x128x128xf32, #tpu.memory_space<vmem>> -> memref<128x128xf32, #tpu.memory_space<vmem>>
    %dma_wait3A_61 = arith.constant 0 : i32
    %dma_wait3A_62 = tpu.memref_slice %arg4[%add3A_56, %dma_wait3A_61] : memref<204800x128xf32, #tpu.memory_space<hbm>> -> memref<128x128xf32, #tpu.memory_space<hbm>>
    %dma_wait3A_63 = arith.constant 0 : i32
    %dma_wait3A_64 = tpu.memref_slice %arg4[%add3A_56, %dma_wait3A_63] : memref<204800x128xf32, #tpu.memory_space<hbm>> -> memref<128x128xf32, #tpu.memory_space<hbm>>
    %dma_wait3A_65 = arith.constant 0 : i32
    %dma_wait3A_66 = arith.constant 0 : i32
    %dma_wait3A_67 = tpu.memref_slice %arg6[%dma_wait3A, %dma_wait3A_65, %dma_wait3A_66] : memref<5x128x128xf32, #tpu.memory_space<vmem>> -> memref<1x128x128xf32, #tpu.memory_space<vmem>>
    %dma_wait3A_68 = tpu.memref_squeeze %dma_wait3A_67 : memref<1x128x128xf32, #tpu.memory_space<vmem>> -> memref<128x128xf32, #tpu.memory_space<vmem>>
    tpu.wait_dma2 semaphore(%arg16 : memref<!tpu.dma_semaphore, #tpu.memory_space<semaphore_mem>>) src(%dma_wait3A_68 : memref<128x128xf32, #tpu.memory_space<vmem>>) dst(%dma_wait3A_64 : memref<128x128xf32, #tpu.memory_space<hbm>>)
    return
  }
}

</mosaic_0001>

<sc_bundles>
// kernel: _gather_rows.3.cloned.1.call-start
scs
__scs_entry_jumppad:
0x0: {  	(pc) =	sbr.rel $0x88, $3  }
0x1: {  	(tag) =	ssettag $0x0;
	lr =	simm.s32 $0x1  }
0x2: {  	[smem:$0x3F9F] =	sst lr;
	_ =	strace $0xD0000000  }
0x3: {  	_ = 	snop  }
0x4: {  	_ = 	snop  }
0x5: {  	_ = 	snop  }
0x6: {  	_ = 	snop  }
0x7: {  	_ = 	snop  }
__scs_overlays_trampoline_lowered:
0x8: {  	[smem:$0x3FAE] =	sst s0  }
0x9: {  	[smem:$0x3FAF] =	sst s1  }
0xa: {  	[smem:$0x3FB0] =	sst s2  }
0xb: {  	[smem:$0x3FB1] =	sst s3  }
0xc: {  	[smem:$0x3FB2] =	sst s4  }
0xd: {  	[smem:$0x3FB3] =	sst s5  }
0xe: {  	[smem:$0x3FB4] =	sst s6  }
0xf: {  	[smem:$0x3FB5] =	sst s7  }
0x10: {  	[smem:$0x3FB6] =	sst s8  }
0x11: {  	[smem:$0x3FB7] =	sst s9;
	s0 =	simm.s32 @!p0 $0x0  }
0x12: {  	s1 =	sld [smem:$0x3F9D];
	s0 =	simm.s32 @p0 $0x1  }
0x13: {  	[smem:$0x3FB8] =	sst s0;
	s0 =	simm.s32 @!p1 $0x0  }
0x14: {  	s2 =	sld [smem:$0x3F9C];
	s0 =	simm.s32 @p1 $0x1  }
0x15: {  	[smem:$0x3FB9] =	sst s0;
	s0 =	simm.s32 @!p2 $0x0  }
0x16: {  	s3 =	sld [smem:$0x3FDB];
	s0 =	simm.s32 @p2 $0x1  }
0x17: {  	s4 =	simm.s32 $0x1BF5;
	[smem:$0x3FBB] =	sst s0  }
0x18: {  	s0 =	sld [smem:$0x3F9E];
	_ =	swait.ge [sflag:s4], $0x0  }
0x19: {  	s7 =	sld [smem:$0x3F9F]  }
0x1a: {  	s8 =	sadd.s32 $0xFFFFE003, lr  }
0x1b: {  	s9 =	sadd.s32 $0xFFFFFEF7, lr;
	s5 =	simm.s32 $0xFFFFFFFF;
	p2 =	slt.u32 s8, $0xFFFFF086  }
0x1c: {  	p1 =	slt.u32 s9, $0xF7A;
	s5 =	simm.s32 @!p2 $0x0  }
0x1d: {  	s5 =	simm.s32 @p1 $0x1;
	p0 =	seq.s32 s7, s2  }
0x1e: {  	s7 =	smul.u32 @!p0 $0xF7A, s2;
	p2 =	seq.s32 @!p0 s5, $0x0  }
0x1f: {  	s9 =	smul.u32 $0xF7A, s1;
	s8 =	simm.s32 @!p0 $0x1BF5;
	p2 =	por !p2, p0  }
0x20: {  	[sflag:s8] =	ssyncset.s32 @!p0 $0xFFFFF086;
	s6 =	sadd.s32 @!p0 s3, s7;
	s7 =	simm.s32 @!p0 $0x108  }
0x21: {  	s3 =	sadd.s32 s3, s9;
	s6 =	sadd.s32 @!p0 $0x88, s6;
	s7 =	simm.s32 @p2 $0x1082  }
0x22: {  	[simem:s7], [sflag:s8] =	dma.local @!p0 [hbm:s6], $0xF7A  }
0x23: {  	s9 =	sor.u32 $0xD0000000, s2;
	s6 =	simm.s32 $0x108;
	_ =	swait.ge @!p0 [sflag:s8], $0x0  }
0x24: {  	s3 =	sadd.s32 $0x88, s3;
	s6 =	simm.s32 @!p1 $0x1082;
	[sflag:s4] =	ssyncset.s32 $0xFFFFF086  }
0x25: {  	[simem:s6], [sflag:s4] =	dma.local [hbm:s3], $0xF7A  }
0x26: {  	[smem:$0x3F9F] =	sst s1;
	(tag) =	ssettag s2;
	_ =	strace s9  }
0x27: {  	s1 =	sld [smem:$0x3FAF]  }
0x28: {  	s2 =	sld [smem:$0x3FB0]  }
0x29: {  	s4 =	sld [smem:$0x3FB2]  }
0x2a: {  	p0 =	seq.s32 s5, $0x0;
	s5 =	sld [smem:$0x3FB3]  }
0x2b: {  	s6 =	sld [smem:$0x3FB4]  }
0x2c: {  	s7 =	sld [smem:$0x3FB5]  }
0x2d: {  	s3 =	simm.s32 $0x108;
	s8 =	sld [smem:$0x3FB6]  }
0x2e: {  	s3 =	simm.s32 @!p0 $0x1082;
	s9 =	sld [smem:$0x3FB7]  }
0x2f: {  	lr =	sadd.s32 s0, s3;
	s0 =	sld [smem:$0x3FAE]  }
0x30: {  	s3 =	sld [smem:$0x3FB1]  }
0x31: {  	[smem:$0x3FBA] =	sst s10  }
0x32: {  	s10 =	sld [smem:$0x3FB8];
	_ =	sdelay $0x3  }
0x33: {  	p0 =	seq.s32 s10, $0x1;
	s10 =	sld [smem:$0x3FBA];
	_ =	sdelay $0x3  }
0x34: {  	[smem:$0x3FBA] =	sst s10  }
0x35: {  	s10 =	sld [smem:$0x3FB9];
	_ =	sdelay $0x3  }
0x36: {  	p1 =	seq.s32 s10, $0x1;
	s10 =	sld [smem:$0x3FBA];
	_ =	sdelay $0x3  }
0x37: {  	[smem:$0x3FBA] =	sst s10  }
0x38: {  	s10 =	sld [smem:$0x3FBB]  }
0x39: {  	_ = 	snop;
	(pc) =	sbr.ind lr, $3  }
0x3a: {  	_ = 	snop  }
0x3b: {  	_ = 	snop  }
0x3c: {  	p2 =	seq.s32 s10, $0x1;
	s10 =	sld [smem:$0x3FBA]  }
0x3d: {  	_ =	shalt  }
0x3e: {  	_ =	shalt  }
0x3f: {  	_ =	shalt  }
0x40: {  	_ =	shalt  }
0x41: {  	_ =	shalt  }
0x42: {  	_ =	shalt  }
0x43: {  	_ =	shalt  }
0x44: {  	_ =	shalt  }
0x45: {  	_ =	shalt  }
0x46: {  	_ =	shalt  }
0x47: {  	_ =	shalt  }
0x48: {  	_ =	shalt  }
0x49: {  	_ =	shalt  }
0x4a: {  	_ =	shalt  }
0x4b: {  	_ =	shalt  }
0x4c: {  	_ =	shalt  }
0x4d: {  	_ =	shalt  }
0x4e: {  	_ =	shalt  }
0x4f: {  	_ =	shalt  }
0x50: {  	_ =	shalt  }
0x51: {  	_ =	shalt  }
0x52: {  	_ =	shalt  }
0x53: {  	_ =	shalt  }
0x54: {  	_ =	shalt  }
0x55: {  	_ =	shalt  }
0x56: {  	_ =	shalt  }
0x57: {  	_ =	shalt  }
0x58: {  	_ =	shalt  }
0x59: {  	_ =	shalt  }
0x5a: {  	_ =	shalt  }
0x5b: {  	_ =	shalt  }
0x5c: {  	_ =	shalt  }
0x5d: {  	_ =	shalt  }
0x5e: {  	_ =	shalt  }
0x5f: {  	_ =	shalt  }
0x60: {  	_ =	shalt  }
0x61: {  	_ =	shalt  }
0x62: {  	_ =	shalt  }
0x63: {  	_ =	shalt  }
0x64: {  	_ =	shalt  }
0x65: {  	_ =	shalt  }
0x66: {  	_ =	shalt  }
0x67: {  	_ =	shalt  }
0x68: {  	_ =	shalt  }
0x69: {  	_ =	shalt  }
0x6a: {  	_ =	shalt  }
0x6b: {  	_ =	shalt  }
0x6c: {  	_ =	shalt  }
0x6d: {  	_ =	shalt  }
0x6e: {  	_ =	shalt  }
0x6f: {  	_ =	shalt  }
0x70: {  	_ =	shalt  }
0x71: {  	_ =	shalt  }
0x72: {  	_ =	shalt  }
0x73: {  	_ =	shalt  }
0x74: {  	_ =	shalt  }
0x75: {  	_ =	shalt  }
0x76: {  	_ =	shalt  }
0x77: {  	_ =	shalt  }
0x78: {  	_ =	shalt  }
0x79: {  	_ =	shalt  }
0x7a: {  	_ =	shalt  }
0x7b: {  	_ =	shalt  }
0x7c: {  	_ =	shalt  }
0x7d: {  	_ =	shalt  }
0x7e: {  	_ =	shalt  }
0x7f: {  	_ =	shalt  }
0x80: {  	_ =	shalt  }
0x81: {  	_ =	shalt  }
0x82: {  	_ =	shalt  }
0x83: {  	_ =	shalt  }
0x84: {  	_ =	shalt  }
0x85: {  	_ =	shalt  }
0x86: {  	_ =	shalt  }
0x87: {  	_ =	shalt  }
.Lfunc_end0:
.L_simem_size_0:
called_computation_lowered:
.L_overlay_start_0:
0x88: {  	s2 =	sld [smem:$0x3FD9]  }
0x89: {  	s3 =	sld [smem:$0x3FFE];
	_ =	sdelay $0x1  }
0x8a: {  	s1 =	srdreg.scid  }
0x8b: {  	s0 =	sand.u32 $0x1, s1  }
0x8c: {  	s17 =	sshll.u32 s0, $0xA;
	s2 =	sadd.s32 s3, s2  }
0x8d: {  	s2 =	sadd.s32 s2, s17  }
0x8e: {  	[smem:$0x3FC6] =	sst s2  }
0x8f: {  	_ = 	snop  }
0x90: {  	s2 =	sld [smem:$0x3FC8]  }
0x91: {  	s18 =	sld [smem:$0x3FD0];
	(tm) =	ssettm $0x1  }
0x92: {  	s4 =	sld [smem:$0x3FFB];
	_ =	sdelay $0x3  }
0x93: {  	_ =	strace s4  }
0x94: {  	s4 =	sld [smem:$0x3FFC];
	_ =	sdelay $0x3  }
0x95: {  	_ =	strace s4  }
0x96: {  	s4 =	sld [smem:$0x3FFD];
	_ =	sdelay $0x3  }
0x97: {  	_ =	strace s4  }
0x98: {  	_ =	strace $0x8FFFFFFF  }
0x99: {  	s19 =	sld [smem:$0x3FDB];
	_ =	sdelay $0x1  }
0x9a: {  	s5 =	simm.s32 $_scs_section_size  }
0x9b: {  	s6 =	simm.s32 $_size__tile_overlayer_lowered;
	s7 =	simm.s32 $_tile_overlayer_lowered  }
0x9c: {  	s22 =	simm.s32 $0x1BFF;
	s21 =	sshll.u32 s7, $0x1;
	s4 =	sadd.s32 s5, s19  }
0x9d: {  	s8 =	simm.s32 $0x0;
	s20 =	sshll.u32 s6, $0x1;
	s6 =	sadd.s32 s21, s4  }
0x9e: {  	[timem:s8], [sflag:s22] =	dma.local [hbm:s6], s20  }
0x9f: {  	_ =	swait.ge [sflag:s22], s20  }
0xa0: {  	s5 =	ssub.s32 $0x0, s20;
	[sflag:s22] =	ssyncset.done $0x0  }
0xa1: {  	[sflag:s22] =	ssyncadd.s32 s5;
	_ =	sdelay $0x1  }
0xa2: {  	s23 =	simm.s32 $0x1B8B  }
0xa3: {  	_ =	swait.ge [sflag:s23], $0x1  }
0xa4: {  	[sflag:s23] =	ssyncset.done $0x0  }
0xa5: {  	s25 =	simm.s32 $0x1B8E;
	s24 =	sld [smem:$0x3FFE];
	[sflag:s23] =	ssyncadd.s32 $0xFFFFFFFF  }
0xa6: {  	s26 =	simm.s32 $execute0_lowered;
	[smem:$0x3FD2] =	sst s25  }
0xa7: {  	s6 =	sshll.u32 s26, $0x1;
	_ =	strace $0x80000046;
	[dreg:$0x1] =	wrdreg $0xFFFFFFFF  }
0xa8: {  	s28 =	simm.s32 $_size_execute0_lowered;
	s4 =	sadd.s32 s4, s6;
	[dreg:$0x0] =	wrdreg $0x0  }
0xa9: {  	s6 =	sshll.u32 s28, $0x1;
	[dreg:$0x2] =	wrdreg s4  }
0xaa: {  	[dreg:$0x3] =	wrdreg s6  }
0xab: {  	[dreg:$0x4] =	wrdreg $0xC0  }
0xac: {  	_ =	task [dreg:s8], $0x5FFFF  }
0xad: {  	[dreg:$0x1] =	wrdreg $0xFFFFFFFF  }
0xae: {  	[dreg:$0x0] =	wrdreg $0x60  }
0xaf: {  	[dreg:$0x2] =	wrdreg s24  }
0xb0: {  	[dreg:$0x3] =	wrdreg s2  }
0xb1: {  	[dreg:$0x4] =	wrdreg s18  }
0xb2: {  	[dreg:$0x5] =	wrdreg $0x9  }
0xb3: {  	_ =	task.clear_ibuf [dreg:s8], $0x6FFFF;
	_ =	strace $0x90000046  }
0xb4: {  	s29 =	simm.s32 $0x9;
	_ =	strace $0x80000048  }
0xb5: {  	_ =	swait.ge [sflag:s29], $0x1  }
0xb6: {  	[sflag:s29] =	ssyncadd.s32 $0xFFFFFFFF  }
0xb7: {  	_ =	strace $0x90000048  }
0xb8: {  	_ =	sfence  }
0xb9: {  	s30 =	sld [smem:$0x0];
	_ =	sdelay $0x2  }
0xba: {  	s31 =	sshll.u32 s1, $0xD;
	s1 =	sshrl.u32 s1, $0x2  }
0xbb: {  	s3 =	sand.u32 $0x4000, s31;
	s1 =	sadd.s32 s1, s30  }
0xbc: {  	s0 =	sor.u32 s3, s0;
	s1 =	sshll.u32 s1, $0x11  }
0xbd: {  	s0 =	sor.u32 s1, s0  }
0xbe: {  	s0 =	sadd.s32 $0x8F2B, s0  }
0xbf: {  	[sflag:s0] =	ssyncadd.remote.s32 $0x1  }
0xc0: {  	_ =	sfence.sel $0xFFFF  }
0xc1: {  	[dreg:$0x0] =	wrdreg $0xFFFFFFFF;
	(pc) =	sbr.abs _section_cstart, $3  }
0xc2: {  	[dreg:$0x1] =	wrdreg $0xFFFFFFFF  }
0xc3: {  	_ =	task.clear_ibuf [dreg:s8], $0x2FFFF;
	_ =	strace $0x9FFFFFFF  }
0xc4: {  	(tm) =	ssettm $0x7FFFFFFF  }
0xc5: {  	_ =	shalt  }
tec
execute0_lowered:
.L_overlay_start_1:
0x0: {  	(tag) =	ssettag $0x1  }
0x1: {  	s1 =	rddreg [dreg:$0x0]  }
0x2: {  	s3 =	srdreg.scid;
	s2 =	rddreg [dreg:$0x1]  }
0x3: {  	s0 =	stileid.u32;
	s5 =	rddreg [dreg:$0x2];
	s12 =	simm.s32 $0x9C00  }
0x4: {  	s14 =	simm.s32 $0xDC00;
	s15 =	simm.s32 $0x11C00;
	s16 =	simm.s32 $0x1  }
0x5: {  	s17 =	simm.s32 $0x6;
	s18 =	simm.s32 $0x2;
	s19 =	simm.s32 $0x7  }
0x6: {  	s20 =	simm.s32 $0x3;
	s21 =	simm.s32 $0x8;
	s22 =	simm.s32 $0x4  }
0x7: {  	s23 =	simm.s32 $0x9;
	s24 =	simm.s32 $0x5;
	s25 =	simm.s32 $0xA  }
0x8: {  	s4 =	sand.u32 $0x1, s3;
	s26 =	sshll.u32 s0, $0x1;
	s3 =	simm.s32 $0x0  }
0x9: {  	s8 =	smul.u32 $0x32000, s0;
	s6 =	sor.u32 s4, s26;
	[smem:$0x7FF] =	sst s3  }
0xa: {  	s7 =	ssub.s32 $0x2, s4;
	s10 =	smul.u32 $0x19000, s4;
	s26 =	simm.s32 $0x0  }
0xb: {  	s6 =	smul.u32 $0x380, s6;
	_ =	strace $0x80000047;
	s9 =	sshrl.u32 s7, $0x1  }
0xc: {  	s29 =	sadd.s32 s8, s5;
	s8 =	simm.s32 $0x80;
	s28 =	ssub.s32 s7, s9  }
0xd: {  	s31 =	sadd.s32 s10, s29;
	s7 =	simm.s32 $0xB;
	s1 =	sadd.s32 s6, s1  }
0xe: {  	s9 =	simm.s32 $0x1C00;
	s10 =	simm.s32 $0x5C00;
	s30 =	sadd.s32 $0x400, s1  }
0xf: {  	s5 =	smax.u32 s28, $0x1;
	s6 =	sadd.s32 $0x1000, s31;
	[dreg:$0x4] =	wrdreg s30  }
.LBB2_1:
0x10: {  	s0 =	rddreg [dreg:$0x4]  }
0x11: {  	[tilespmem:s3], [sflag:$0xB] =	stream.linear.gather [hbm4b:s0+s3], $0x1900, $0x38;
	[tilespmem:$0x15C00] =	vst v63  }
0x12: {  	_ =	swait.ge [sflag:s7], $0x1900  }
0x13: {  	[sflag:s7] =	ssyncset.done $0x0  }
0x14: {  	[sflag:s7] =	ssyncadd.s32 $0xFFFFE700  }
0x15: {  	[tilespmem:s9], [sflag:$0x1] =	stream.indirect.gather [hbm4b:s2+s8], $0x80, s3, s8, $0xb8;
	[tilespmem:$0x15C00] =	vst v63  }
0x16: {  	_ = 	snop  }
0x17: {  	[tilespmem:s10], [sflag:$0x2] =	stream.indirect.gather [hbm4b:s2+s8], $0x80, s8, s8, $0xb8;
	[tilespmem:$0x15C00] =	vst v63  }
0x18: {  	s31 =	simm.s32 $0x100  }
0x19: {  	[tilespmem:s12], [sflag:$0x3] =	stream.indirect.gather [hbm4b:s2+s8], $0x80, s31, s8, $0xb8;
	[tilespmem:$0x15C00] =	vst v63  }
0x1a: {  	s1 =	simm.s32 $0x180;
	p0 =	por $0x1, $0x1  }
0x1b: {  	[tilespmem:s14], [sflag:$0x4] =	stream.indirect.gather [hbm4b:s2+s8], $0x80, s1, s8, $0xb8;
	[tilespmem:$0x15C00] =	vst v63  }
0x1c: {  	s1 =	simm.s32 @!p0 $0xA  }
0x1d: {  	_ =	swait.ge @!p0 [sflag:s1], $0x4000  }
0x1e: {  	[sflag:s1] =	ssyncset.done @!p0 $0x0  }
0x1f: {  	s4 =	simm.s32 $0x200;
	[sflag:s1] =	ssyncadd.s32 @!p0 $0xFFFFC000  }
0x20: {  	[tilespmem:s15], [sflag:$0x5] =	stream.indirect.gather [hbm4b:s2+s8], $0x80, s4, s8, $0xb8;
	[tilespmem:$0x15C00] =	vst v63  }
0x21: {  	_ =	swait.ge [sflag:s16], $0x4000  }
0x22: {  	[sflag:s16] =	ssyncset.done $0x0  }
0x23: {  	s11 =	sadd.s32 $0xFFFFF000, s6;
	[sflag:s16] =	ssyncadd.s32 $0xFFFFC000  }
0x24: {  	[hbm4b:s11+s3] =	stream.linear.scatter [tilespmem:s9], [sflag:$0x6], $0x4000, $0x38;
	[tilespmem:$0x15C00] =	vst v63  }
0x25: {  	p0 =	por $0x0, $0x0;
	_ =	swait.ge [sflag:s17], $0x4000  }
0x26: {  	s1 =	simm.s32 @!p0 $0x1C00;
	[sflag:s17] =	ssyncset.done $0x0  }
0x27: {  	s28 =	simm.s32 @!p0 $0x280;
	s30 =	simm.s32 @!p0 $0x80;
	[sflag:s17] =	ssyncadd.s32 $0xFFFFC000  }
0x28: {  	[tilespmem:s1], [sflag:$0x1] =	stream.indirect.gather @!p0 [hbm4b:s2+s30], $0x80, s28, s30, $0xb8;
	[tilespmem:$0x15C00] =	vst v63  }
0x29: {  	_ =	swait.ge [sflag:s18], $0x4000  }
0x2a: {  	[sflag:s18] =	ssyncset.done $0x0  }
0x2b: {  	s13 =	sadd.s32 $0xFFFFF800, s6;
	[sflag:s18] =	ssyncadd.s32 $0xFFFFC000  }
0x2c: {  	[hbm4b:s13+s3] =	stream.linear.scatter [tilespmem:s10], [sflag:$0x7], $0x4000, $0x38;
	[tilespmem:$0x15C00] =	vst v63  }
0x2d: {  	_ =	swait.ge [sflag:s19], $0x4000  }
0x2e: {  	[sflag:s19] =	ssyncset.done $0x0  }
0x2f: {  	s1 =	simm.s32 @!p0 $0x300;
	s28 =	simm.s32 @!p0 $0x5C00;
	[sflag:s19] =	ssyncadd.s32 $0xFFFFC000  }
0x30: {  	[tilespmem:s28], [sflag:$0x2] =	stream.indirect.gather @!p0 [hbm4b:s2+s30], $0x80, s1, s30, $0xb8;
	[tilespmem:$0x15C00] =	vst v63  }
0x31: {  	_ =	swait.ge [sflag:s20], $0x4000  }
0x32: {  	[sflag:s20] =	ssyncset.done $0x0  }
0x33: {  	[sflag:s20] =	ssyncadd.s32 $0xFFFFC000  }
0x34: {  	[hbm4b:s6+s3] =	stream.linear.scatter [tilespmem:s12], [sflag:$0x8], $0x4000, $0x38;
	[tilespmem:$0x15C00] =	vst v63  }
0x35: {  	_ =	swait.ge [sflag:s21], $0x4000  }
0x36: {  	[sflag:s21] =	ssyncset.done $0x0  }
0x37: {  	s1 =	simm.s32 @!p0 $0x380;
	s28 =	simm.s32 @!p0 $0x9C00;
	[sflag:s21] =	ssyncadd.s32 $0xFFFFC000  }
0x38: {  	[tilespmem:s28], [sflag:$0x3] =	stream.indirect.gather @!p0 [hbm4b:s2+s30], $0x80, s1, s30, $0xb8;
	[tilespmem:$0x15C00] =	vst v63  }
0x39: {  	_ =	swait.ge [sflag:s22], $0x4000  }
0x3a: {  	[sflag:s22] =	ssyncset.done $0x0  }
0x3b: {  	s31 =	sadd.s32 $0x800, s6;
	[sflag:s22] =	ssyncadd.s32 $0xFFFFC000  }
0x3c: {  	[hbm4b:s31+s3] =	stream.linear.scatter [tilespmem:s14], [sflag:$0x9], $0x4000, $0x38;
	[tilespmem:$0x15C00] =	vst v63  }
0x3d: {  	_ =	swait.ge [sflag:s23], $0x4000  }
0x3e: {  	s29 =	simm.s32 $0xA00;
	[sflag:s23] =	ssyncset.done $0x0  }
0x3f: {  	s1 =	simm.s32 @!p0 $0x400;
	s28 =	simm.s32 @!p0 $0xDC00;
	[sflag:s23] =	ssyncadd.s32 $0xFFFFC000  }
0x40: {  	[tilespmem:s28], [sflag:$0x4] =	stream.indirect.gather @!p0 [hbm4b:s2+s30], $0x80, s1, s30, $0xb8;
	[tilespmem:$0x15C00] =	vst v63  }
0x41: {  	p1 =	por $0x0, $0x0;
	s30 =	simm.s32 $0x1400;
	_ =	swait.ge [sflag:s24], $0x4000  }
0x42: {  	s28 =	sadd.s32 $0x2800, s6;
	s1 =	sadd.s32 $0x1000, s6;
	[sflag:s24] =	ssyncset.done $0x0  }
.LBB2_2:
0x43: {  	s0 =	simm.s32 @!p1 $0xA;
	[sflag:s24] =	ssyncadd.s32 $0xFFFFC000  }
0x44: {  	s11 =	smov.u32 s30;
	s30 =	sadd.s32 $0xA00, s30;
	s31 =	smov.u32 s28  }
0x45: {  	[hbm4b:s1+s3] =	stream.linear.scatter [tilespmem:s15], [sflag:$0xA], $0x4000, $0x38;
	[tilespmem:$0x15C00] =	vst v63  }
0x46: {  	p0 =	sne.s32 s30, $0x6400;
	_ =	swait.ge @!p1 [sflag:s0], $0x4000  }
0x47: {  	s1 =	sshra.s32 s29, $0x2;
	[sflag:s0] =	ssyncset.done @!p1 $0x0  }
0x48: {  	[sflag:s0] =	ssyncadd.s32 @!p1 $0xFFFFC000;
	s0 =	sadd.s32 $0x200, s1  }
0x49: {  	[tilespmem:s15], [sflag:$0x5] =	stream.indirect.gather [hbm4b:s2+s8], $0x80, s0, s8, $0xb8;
	[tilespmem:$0x15C00] =	vst v63  }
0x4a: {  	_ =	swait.ge [sflag:s16], $0x4000  }
0x4b: {  	[sflag:s16] =	ssyncset.done $0x0  }
0x4c: {  	s0 =	sadd.s32 $0xFFFFF000, s28;
	[sflag:s16] =	ssyncadd.s32 $0xFFFFC000  }
0x4d: {  	[hbm4b:s0+s3] =	stream.linear.scatter [tilespmem:s9], [sflag:$0x6], $0x4000, $0x38;
	[tilespmem:$0x15C00] =	vst v63  }
0x4e: {  	p1 =	seq.s32 s29, $0x5A00;
	_ =	swait.ge [sflag:s17], $0x4000  }
0x4f: {  	s1 =	simm.s32 @!p1 $0x1C00;
	s0 =	sshra.s32 @!p1 s29, $0x2;
	[sflag:s17] =	ssyncset.done $0x0  }
0x50: {  	s13 =	simm.s32 @!p1 $0x80;
	s29 =	sadd.s32 @!p1 $0x280, s0;
	[sflag:s17] =	ssyncadd.s32 $0xFFFFC000  }
0x51: {  	[tilespmem:s1], [sflag:$0x1] =	stream.indirect.gather @!p1 [hbm4b:s2+s13], $0x80, s29, s13, $0xb8;
	[tilespmem:$0x15C00] =	vst v63  }
0x52: {  	s4 =	sadd.s32 @!p1 $0x400, s0;
	s1 =	sadd.s32 @!p1 $0x380, s0;
	_ =	swait.ge [sflag:s18], $0x4000  }
0x53: {  	s0 =	sadd.s32 @!p1 $0x300, s0;
	s29 =	smov.u32 s11;
	[sflag:s18] =	ssyncset.done $0x0  }
0x54: {  	s11 =	sadd.s32 $0xFFFFF800, s28;
	[sflag:s18] =	ssyncadd.s32 $0xFFFFC000  }
0x55: {  	[hbm4b:s11+s3] =	stream.linear.scatter [tilespmem:s10], [sflag:$0x7], $0x4000, $0x38;
	[tilespmem:$0x15C00] =	vst v63  }
0x56: {  	_ =	swait.ge [sflag:s19], $0x4000  }
0x57: {  	[sflag:s19] =	ssyncset.done $0x0  }
0x58: {  	s11 =	simm.s32 @!p1 $0x5C00;
	[sflag:s19] =	ssyncadd.s32 $0xFFFFC000  }
0x59: {  	[tilespmem:s11], [sflag:$0x2] =	stream.indirect.gather @!p1 [hbm4b:s2+s13], $0x80, s0, s13, $0xb8;
	[tilespmem:$0x15C00] =	vst v63  }
0x5a: {  	_ =	swait.ge [sflag:s20], $0x4000  }
0x5b: {  	[sflag:s20] =	ssyncset.done $0x0  }
0x5c: {  	[sflag:s20] =	ssyncadd.s32 $0xFFFFC000  }
0x5d: {  	[hbm4b:s28+s3] =	stream.linear.scatter [tilespmem:s12], [sflag:$0x8], $0x4000, $0x38;
	[tilespmem:$0x15C00] =	vst v63  }
0x5e: {  	_ =	swait.ge [sflag:s21], $0x4000  }
0x5f: {  	[sflag:s21] =	ssyncset.done $0x0  }
0x60: {  	s0 =	simm.s32 @!p1 $0x9C00;
	[sflag:s21] =	ssyncadd.s32 $0xFFFFC000  }
0x61: {  	[tilespmem:s0], [sflag:$0x3] =	stream.indirect.gather @!p1 [hbm4b:s2+s13], $0x80, s1, s13, $0xb8;
	[tilespmem:$0x15C00] =	vst v63  }
0x62: {  	_ =	swait.ge [sflag:s22], $0x4000  }
0x63: {  	[sflag:s22] =	ssyncset.done $0x0  }
0x64: {  	s0 =	sadd.s32 $0x800, s28;
	[sflag:s22] =	ssyncadd.s32 $0xFFFFC000  }
0x65: {  	[hbm4b:s0+s3] =	stream.linear.scatter [tilespmem:s14], [sflag:$0x9], $0x4000, $0x38;
	[tilespmem:$0x15C00] =	vst v63  }
0x66: {  	_ =	swait.ge [sflag:s23], $0x4000  }
.Ltmp0:
0x67: {  	[sflag:s23] =	ssyncset.done $0x0;
	(pc) =	sbr.rel @p0 .LBB2_2-.Ltmp0, $4  }
0x68: {  	s0 =	simm.s32 @!p1 $0xDC00;
	[sflag:s23] =	ssyncadd.s32 $0xFFFFC000  }
0x69: {  	[tilespmem:s0], [sflag:$0x4] =	stream.indirect.gather @!p1 [hbm4b:s2+s13], $0x80, s4, s13, $0xb8;
	[tilespmem:$0x15C00] =	vst v63  }
0x6a: {  	s28 =	sadd.s32 $0x2800, s28;
	_ =	swait.ge [sflag:s24], $0x4000  }
0x6b: {  	s1 =	sadd.s32 $0x1000, s31;
	p1 =	seq.s32 s29, $0x0;
	[sflag:s24] =	ssyncset.done $0x0  }
0x6c: {  	s0 =	simm.s32 @!p1 $0xA;
	[sflag:s24] =	ssyncadd.s32 $0xFFFFC000  }
0x6d: {  	[hbm4b:s1+s3] =	stream.linear.scatter [tilespmem:s15], [sflag:$0xA], $0x4000, $0x38;
	[tilespmem:$0x15C00] =	vst v63  }
0x6e: {  	_ =	swait.ge @!p1 [sflag:s0], $0x4000  }
0x6f: {  	s4 =	sshra.s32 s29, $0x2;
	[sflag:s0] =	ssyncset.done @!p1 $0x0  }
0x70: {  	s11 =	sadd.s32 $0x200, s4;
	[sflag:s0] =	ssyncadd.s32 @!p1 $0xFFFFC000  }
0x71: {  	[tilespmem:s15], [sflag:$0x5] =	stream.indirect.gather [hbm4b:s2+s8], $0x80, s11, s8, $0xb8;
	[tilespmem:$0x15C00] =	vst v63  }
0x72: {  	_ =	swait.ge [sflag:s16], $0x4000  }
0x73: {  	[sflag:s16] =	ssyncset.done $0x0  }
0x74: {  	s13 =	sadd.s32 $0xFFFFF000, s28;
	[sflag:s16] =	ssyncadd.s32 $0xFFFFC000  }
0x75: {  	[hbm4b:s13+s3] =	stream.linear.scatter [tilespmem:s9], [sflag:$0x6], $0x4000, $0x38;
	[tilespmem:$0x15C00] =	vst v63  }
0x76: {  	p0 =	seq.s32 s29, $0x5A00;
	_ =	swait.ge [sflag:s17], $0x4000  }
0x77: {  	s1 =	simm.s32 @!p0 $0x1C00;
	s0 =	sshra.s32 @!p0 s29, $0x2;
	[sflag:s17] =	ssyncset.done $0x0  }
0x78: {  	s4 =	sadd.s32 @!p0 $0x280, s0;
	s11 =	simm.s32 @!p0 $0x80;
	[sflag:s17] =	ssyncadd.s32 $0xFFFFC000  }
0x79: {  	[tilespmem:s1], [sflag:$0x1] =	stream.indirect.gather @!p0 [hbm4b:s2+s11], $0x80, s4, s11, $0xb8;
	[tilespmem:$0x15C00] =	vst v63  }
0x7a: {  	_ =	swait.ge [sflag:s18], $0x4000  }
0x7b: {  	[sflag:s18] =	ssyncset.done $0x0  }
0x7c: {  	s29 =	sadd.s32 $0xFFFFF800, s28;
	[sflag:s18] =	ssyncadd.s32 $0xFFFFC000  }
0x7d: {  	[hbm4b:s29+s3] =	stream.linear.scatter [tilespmem:s10], [sflag:$0x7], $0x4000, $0x38;
	[tilespmem:$0x15C00] =	vst v63  }
0x7e: {  	_ =	swait.ge [sflag:s19], $0x4000  }
0x7f: {  	[sflag:s19] =	ssyncset.done $0x0  }
0x80: {  	s1 =	sadd.s32 @!p0 $0x300, s0;
	s4 =	simm.s32 @!p0 $0x5C00;
	[sflag:s19] =	ssyncadd.s32 $0xFFFFC000  }
0x81: {  	[tilespmem:s4], [sflag:$0x2] =	stream.indirect.gather @!p0 [hbm4b:s2+s11], $0x80, s1, s11, $0xb8;
	[tilespmem:$0x15C00] =	vst v63  }
0x82: {  	_ =	swait.ge [sflag:s20], $0x4000  }
0x83: {  	[sflag:s20] =	ssyncset.done $0x0  }
0x84: {  	[sflag:s20] =	ssyncadd.s32 $0xFFFFC000  }
0x85: {  	[hbm4b:s28+s3] =	stream.linear.scatter [tilespmem:s12], [sflag:$0x8], $0x4000, $0x38;
	[tilespmem:$0x15C00] =	vst v63  }
0x86: {  	_ =	swait.ge [sflag:s21], $0x4000  }
0x87: {  	[sflag:s21] =	ssyncset.done $0x0  }
0x88: {  	s1 =	sadd.s32 @!p0 $0x380, s0;
	s4 =	simm.s32 @!p0 $0x9C00;
	[sflag:s21] =	ssyncadd.s32 $0xFFFFC000  }
0x89: {  	[tilespmem:s4], [sflag:$0x3] =	stream.indirect.gather @!p0 [hbm4b:s2+s11], $0x80, s1, s11, $0xb8;
	[tilespmem:$0x15C00] =	vst v63  }
0x8a: {  	_ =	swait.ge [sflag:s22], $0x4000  }
0x8b: {  	[sflag:s22] =	ssyncset.done $0x0  }
0x8c: {  	s30 =	sadd.s32 $0x800, s28;
	[sflag:s22] =	ssyncadd.s32 $0xFFFFC000  }
0x8d: {  	[hbm4b:s30+s3] =	stream.linear.scatter [tilespmem:s14], [sflag:$0x9], $0x4000, $0x38;
	[tilespmem:$0x15C00] =	vst v63  }
0x8e: {  	_ =	swait.ge [sflag:s23], $0x4000  }
0x8f: {  	[sflag:s23] =	ssyncset.done $0x0  }
0x90: {  	s0 =	sadd.s32 @!p0 $0x400, s0;
	s1 =	simm.s32 @!p0 $0xDC00;
	[sflag:s23] =	ssyncadd.s32 $0xFFFFC000  }
0x91: {  	[tilespmem:s1], [sflag:$0x4] =	stream.indirect.gather @!p0 [hbm4b:s2+s11], $0x80, s0, s11, $0xb8;
	[tilespmem:$0x15C00] =	vst v63  }
0x92: {  	s26 =	sadd.s32 $0x1, s26;
	_ =	swait.ge [sflag:s24], $0x4000  }
0x93: {  	p0 =	sne.s32 s26, s5;
	[sflag:s24] =	ssyncset.done $0x0  }
.Ltmp1:
0x94: {  	s31 =	sadd.s32 $0x1000, s28;
	[sflag:s24] =	ssyncadd.s32 $0xFFFFC000;
	(pc) =	sbr.rel @p0 .LBB2_1-.Ltmp1, $4  }
0x95: {  	[hbm4b:s31+s3] =	stream.linear.scatter [tilespmem:s15], [sflag:$0xA], $0x4000, $0x38;
	[tilespmem:$0x15C00] =	vst v63  }
0x96: {  	_ =	swait.ge [sflag:s25], $0x4000  }
0x97: {  	[sflag:s25] =	ssyncset.done $0x0  }
0x98: {  	[sflag:s25] =	ssyncadd.s32 $0xFFFFC000  }
0x99: {  	_ =	sfence.sel $0x180000  }
0x9a: {  	[bflag:$0x0] =	sbarrier.arrive $0xFFFF  }
0x9b: {  	_ =	strace $0x90000047  }
0x9c: {  	s0 =	stileid.u32;
	[bflag:$0x2] =	sbarrier.arrive $0xFFFF  }
0x9d: {  	p0 =	sne.s32 s0, $0x0;
	s0 =	rddreg [dreg:$0x3]  }
0x9e: {  	s0 =	sadd.s32 @!p0 $0x100000, s0  }
0x9f: {  	[sflag:s0] =	ssyncadd.tile.s32 @!p0 $0x1;
	_ =	shalt  }
.Lfunc_end2:
_tile_overlayer_lowered:
.L_overlay_start_2:
0xa0: {  	(tag) =	ssettag $0x2  }
0xa1: {  	s0 =	rddreg [dreg:$0x0];
	s2 =	stileid.u32  }
0xa2: {  	s1 =	rddreg [dreg:$0x1];
	p0 =	sne.s32 s2, $0x0  }
0xa3: {  	s3 =	rddreg [dreg:$0x2];
	[bflag:$0x3] =	sbarrier.arrive $0xFFFF;
	s2 =	simm.s32 @!p0 $0x1C0B  }
0xa4: {  	[timem:s3], [sflag:s2] =	dma.local @!p0 [hbm:s0], s1  }
0xa5: {  	s0 =	simm.s32 @!p0 $0xB  }
0xa6: {  	_ =	swait.ge @!p0 [sflag:s0], s1  }
0xa7: {  	s1 =	ssub.s32 @!p0 $0x0, s1;
	[sflag:s0] =	ssyncset.done @!p0 $0x0  }
0xa8: {  	[sflag:s0] =	ssyncadd.s32 @!p0 s1  }
0xa9: {  	[bflag:$0x3] =	sbarrier.arrive $0xFFFF  }
0xaa: {  	_ =	shalt  }

</sc_bundles>
